<compile_context>
chip_gen: v7x
topology: tpu7x:2x2x1
jax: 0.10.2.dev20260603
libtpu: 0.0.44.dev20260713+nightly
codegen_flags: <defaults>
</compile_context>

<pallas_src>
import functools

import jax
import jax.numpy as jnp
from jax import lax
from jax.experimental import pallas as pl
from jax.experimental.pallas import tpu as pltpu
from jax.experimental.pallas import tpu_sc as plsc

N = 10000
E = 320000
D_IN = 128
D_HID = 64

NC = 2
NS = 16
NW = NC * NS
EPW = E // NW
BLK = 125
NBLK = EPW // BLK
GBLK = 500
NG = EPW // GBLK
QPG = GBLK // BLK
N_PAD = 10240
RPS = N_PAD // NS

_sc_mesh = plsc.VectorSubcoreMesh(core_axis_name="c", subcore_axis_name="s")
_sc_params = pltpu.CompilerParams(use_tc_tiling_on_sc=False)



@functools.partial(
    pl.kernel,
    mesh=_sc_mesh,
    out_type=jax.ShapeDtypeStruct((N_PAD, 128), jnp.float32),
    scratch_types=[
        pltpu.VMEM((NBLK, BLK), jnp.int32),
        pltpu.VMEM((BLK, 16), jnp.float32),
        pltpu.VMEM_SHARED((N_PAD, 16), jnp.float32),
        pltpu.SemaphoreType.DMA,
    ],
    compiler_params=_sc_params,
)
def _deg_sc(dst_hbm, zeros_hbm, ones_hbm, out_hbm, dst_v, ones_v, acc, sem):
    c = lax.axis_index("c")
    s = lax.axis_index("s")
    wid = c * NS + s
    rows = pl.ds(s * RPS, RPS)
    pltpu.async_copy(zeros_hbm.at[rows], acc.at[rows], sem)
    pltpu.sync_copy(ones_hbm, ones_v)
    pltpu.sync_copy(dst_hbm.at[wid], dst_v)
    pltpu.make_async_copy(zeros_hbm.at[rows], acc.at[rows], sem).wait()
    plsc.subcore_barrier()

    @pl.loop(0, NBLK)
    def _(j):
        pltpu.sync_copy(ones_v, acc.at[dst_v.at[j]], add=True)

    plsc.subcore_barrier()
    pltpu.sync_copy(acc.at[rows], out_hbm.at[rows, pl.ds(c * 16, 16)])


@functools.partial(
    pl.kernel,
    mesh=_sc_mesh,
    out_type=jax.ShapeDtypeStruct((N_PAD, NC * D_HID), jnp.float32),
    scratch_types=[
        pltpu.VMEM((NG, GBLK), jnp.int32),
        pltpu.VMEM((NBLK, BLK), jnp.int32),
        pltpu.VMEM((GBLK, D_HID), jnp.float32),
        pltpu.VMEM((GBLK, D_HID), jnp.float32),
        pltpu.VMEM_SHARED((N_PAD, D_HID), jnp.float32),
        pltpu.SemaphoreType.DMA,
        pltpu.SemaphoreType.DMA,
    ],
    compiler_params=_sc_params,
)
def _agg_sc(h_hbm, src_hbm, dst_hbm, zeros_hbm, out_hbm,
            src_v, dst_v, buf0, buf1, acc, gsem0, gsem1):
    c = lax.axis_index("c")
    s = lax.axis_index("s")
    wid = c * NS + s
    rows = pl.ds(s * RPS, RPS)
    pltpu.async_copy(zeros_hbm.at[rows], acc.at[rows], gsem0)
    pltpu.sync_copy(src_hbm.at[wid], src_v)
    pltpu.sync_copy(dst_hbm.at[wid], dst_v)
    pltpu.make_async_copy(zeros_hbm.at[rows], acc.at[rows], gsem0).wait()
    plsc.subcore_barrier()

    pltpu.async_copy(h_hbm.at[src_v.at[0]], buf0, gsem0)
    pltpu.async_copy(h_hbm.at[src_v.at[1]], buf1, gsem1)

    @pl.loop(0, NG // 2)
    def _(i):
        m0 = 2 * i

        for m, buf, sem in ((m0, buf0, gsem0), (m0 + 1, buf1, gsem1)):
            pltpu.make_async_copy(h_hbm.at[src_v.at[m]], buf, sem).wait()
            for q in range(QPG):
                pltpu.sync_copy(buf.at[pl.ds(q * BLK, BLK)],
                                acc.at[dst_v.at[m * QPG + q]], add=True)
            pltpu.async_copy(h_hbm.at[src_v.at[lax.rem(m + 2, NG)]], buf, sem)

    pltpu.make_async_copy(h_hbm.at[src_v.at[0]], buf0, gsem0).wait()
    pltpu.make_async_copy(h_hbm.at[src_v.at[1]], buf1, gsem1).wait()
    plsc.subcore_barrier()
    pltpu.sync_copy(acc.at[rows], out_hbm.at[rows, pl.ds(c * D_HID, D_HID)])



TB = 2000
_TGRID = N // TB


def _head_body(dacc_ref, x_ref, w1_ref, dis_ref, hp_ref):
    deg = dacc_ref[:, 0:1] + dacc_ref[:, 16:17] + 1.0
    dis = lax.rsqrt(deg)
    dis_ref[...] = dis
    h = jnp.dot(x_ref[...], w1_ref[...], preferred_element_type=jnp.float32)
    hp_ref[...] = h * dis


_head = pl.pallas_call(
    _head_body,
    grid=(_TGRID,),
    in_specs=[
        pl.BlockSpec((TB, 128), lambda i: (i, 0)),
        pl.BlockSpec((TB, D_IN), lambda i: (i, 0)),
        pl.BlockSpec((D_IN, D_HID), lambda i: (0, 0)),
    ],
    out_specs=(pl.BlockSpec((TB, 1), lambda i: (i, 0)),
               pl.BlockSpec((TB, D_HID), lambda i: (i, 0))),
    out_shape=(jax.ShapeDtypeStruct((N, 1), jnp.float32),
               jax.ShapeDtypeStruct((N, D_HID), jnp.float32)))


def _mid_body(p_ref, hp_ref, dis_ref, b1_ref, w2_ref, o_ref):
    dis = dis_ref[...]
    p = p_ref[:, :D_HID] + p_ref[:, D_HID:]
    z = dis * (p + hp_ref[...]) + b1_ref[...]
    z = jnp.maximum(z, 0.0)
    o_ref[...] = jnp.dot(z, w2_ref[...], preferred_element_type=jnp.float32) * dis


_mid = pl.pallas_call(
    _mid_body,
    grid=(_TGRID,),
    in_specs=[
        pl.BlockSpec((TB, NC * D_HID), lambda i: (i, 0)),
        pl.BlockSpec((TB, D_HID), lambda i: (i, 0)),
        pl.BlockSpec((TB, 1), lambda i: (i, 0)),
        pl.BlockSpec((1, D_HID), lambda i: (0, 0)),
        pl.BlockSpec((D_HID, D_HID), lambda i: (0, 0)),
    ],
    out_specs=pl.BlockSpec((TB, D_HID), lambda i: (i, 0)),
    out_shape=jax.ShapeDtypeStruct((N, D_HID), jnp.float32))


def _fin_body(p_ref, hp_ref, dis_ref, b2_ref, o_ref):
    p = p_ref[:, :D_HID] + p_ref[:, D_HID:]
    o_ref[...] = (dis_ref[...] * (p + hp_ref[...]) + b2_ref[...])


_fin = pl.pallas_call(
    _fin_body,
    grid=(_TGRID,),
    in_specs=[
        pl.BlockSpec((TB, NC * D_HID), lambda i: (i, 0)),
        pl.BlockSpec((TB, D_HID), lambda i: (i, 0)),
        pl.BlockSpec((TB, 1), lambda i: (i, 0)),
        pl.BlockSpec((1, D_HID), lambda i: (0, 0)),
    ],
    out_specs=pl.BlockSpec((TB, D_HID), lambda i: (i, 0)),
    out_shape=jax.ShapeDtypeStruct((N, D_HID), jnp.float32))



def kernel(x, edge_index, W1, b1, W2, b2):
    src = edge_index[0].reshape(NW, NG, GBLK)
    dst = edge_index[1].reshape(NW, NBLK, BLK)
    z64 = jnp.zeros((N_PAD, D_HID), jnp.float32)
    z16 = jnp.zeros((N_PAD, 16), jnp.float32)
    on16 = jnp.ones((BLK, 16), jnp.float32)
    b1r = b1.reshape(1, D_HID)
    b2r = b2.reshape(1, D_HID)

    dacc = _deg_sc(dst, z16, on16)
    dis, h1p = _head(dacc, x, W1)
    p1 = _agg_sc(h1p, src, dst, z64)
    h2p = _mid(p1, h1p, dis, b1r, W2)
    p2 = _agg_sc(h2p, src, dst, z64)
    return _fin(p2, h2p, dis, b2r)

# --- scband reference (transcript-rebuilt; emitter-appended) ---
"""Pipeline reference for scband-bipartite-encoder-21431886807835 (READ-ONLY COPY).

The authoritative reference and input builder live on the scoring server;
editing this copy changes nothing except your own understanding.
"""

import jax, jax.numpy as jnp
import numpy as np

N = 10000
E = 320000
D_IN = 128
D_HID = 64


def setup_inputs(seed: int = 0) -> dict:
    key = jax.random.key(seed)
    k1, k2, k3, k4, k5, k6 = jax.random.split(key, 6)
    x = jax.random.normal(k1, (N, D_IN), dtype=jnp.float32)
    edge_index = jax.random.randint(k2, (2, E), 0, N, dtype=jnp.int32)
    # GCNConv weights (glorot-like init) and biases for 2 layers: 128->64->64
    W1 = jax.random.normal(k3, (D_IN, D_HID), dtype=jnp.float32) * (1.0 / np.sqrt(D_IN))
    b1 = jnp.zeros((D_HID,), dtype=jnp.float32)
    W2 = jax.random.normal(k4, (D_HID, D_HID), dtype=jnp.float32) * (1.0 / np.sqrt(D_HID))
    b2 = jnp.zeros((D_HID,), dtype=jnp.float32)
    return {"x": x, "edge_index": edge_index, "W1": W1, "b1": b1, "W2": W2, "b2": b2}


def _gcn_conv(x, src, dst, W, b):
    # Linear transform
    h = x @ W
    # Symmetric normalization (PyG gcn_norm with self-loops already appended)
    deg = jnp.zeros((N,), dtype=h.dtype).at[dst].add(1.0)
    deg_inv_sqrt = jnp.where(deg > 0, 1.0 / jnp.sqrt(deg), 0.0)
    norm = deg_inv_sqrt[src] * deg_inv_sqrt[dst]
    # Message = norm * h[src]; aggregate at dst via scatter-add
    msg = h[src] * norm[:, None]
    out = jnp.zeros((N, h.shape[1]), dtype=h.dtype).at[dst].add(msg)
    return out + b


def reference(x, edge_index, W1, b1, W2, b2):
    # Add self loops (GCNConv default add_self_loops=True)
    loop = jnp.arange(N, dtype=edge_index.dtype)
    src = jnp.concatenate([edge_index[0], loop])
    dst = jnp.concatenate([edge_index[1], loop])
    # Layer 1 + ReLU (dropout is identity at inference)
    h = _gcn_conv(x, src, dst, W1, b1)
    h = jax.nn.relu(h)
    # Layer 2 (no activation on final layer)
    h = _gcn_conv(h, src, dst, W2, b2)
    return h

if __name__ == "__main__":
    import jax
    _d = setup_inputs()
    print(jax.jit(kernel)(*tuple(_d.values())))

</pallas_src>

<mosaic_0001>
#map = affine_map<(d0, d1) -> (0, 0)>
#map1 = affine_map<(d0, d1) -> (0, 0, 0)>
module attributes {stable_mosaic.version = 14 : i64} {
  func.func @_agg_sc(%arg0: i32, %arg1: i32, %arg2: memref<10000x64xf32, #tpu.memory_space<hbm>>, %arg3: memref<32x20x500xi32, #tpu.memory_space<hbm>>, %arg4: memref<32x80x125xi32, #tpu.memory_space<hbm>>, %arg5: memref<10240x64xf32, #tpu.memory_space<hbm>>, %arg6: memref<10240x128xf32, #tpu.memory_space<hbm>>, %arg7: memref<20x500xi32, #tpu.memory_space<vmem>>, %arg8: memref<80x125xi32, #tpu.memory_space<vmem>>, %arg9: memref<500x64xf32, #tpu.memory_space<vmem>>, %arg10: memref<500x64xf32, #tpu.memory_space<vmem>>, %arg11: memref<10240x64xf32, #tpu.memory_space<vmem_shared>>, %arg12: memref<!tpu.dma_semaphore, #tpu.memory_space<semaphore_mem>>, %arg13: memref<!tpu.dma_semaphore, #tpu.memory_space<semaphore_mem>>) attributes {dimension_semantics = [#tpu.dimension_semantics<core_parallel>, #tpu.dimension_semantics<subcore_parallel>], iteration_bounds = array<i64: 2, 16>, scalar_prefetch = 0 : i64, scratch_operands = 7 : i64, tpu.core_type = #tpu.core_type<sc_vector_subcore>, window_params = [{transform_indices = #map}, {transform_indices = #map1}, {transform_indices = #map1}, {transform_indices = #map}, {transform_indices = #map}]} {
    %mul3A = arith.constant 16 : i32
    %mul3A_0 = arith.muli %arg0, %mul3A : i32
    %add3A = arith.addi %mul3A_0, %arg1 : i32
    %mul3A_1 = arith.constant 640 : i32
    %mul3A_2 = arith.muli %arg1, %mul3A_1 : i32
    %dma_start3A = arith.constant 0 : i32
    %dma_start3A_3 = tpu.memref_slice %arg11[%mul3A_2, %dma_start3A] : memref<10240x64xf32, #tpu.memory_space<vmem_shared>> -> memref<640x64xf32, #tpu.memory_space<vmem_shared>>
    %dma_start3A_4 = arith.constant 0 : i32
    %dma_start3A_5 = tpu.memref_slice %arg5[%mul3A_2, %dma_start3A_4] : memref<10240x64xf32, #tpu.memory_space<hbm>> -> memref<640x64xf32, #tpu.memory_space<hbm>>
    tpu.enqueue_dma source(%dma_start3A_5 : memref<640x64xf32, #tpu.memory_space<hbm>>) target(%dma_start3A_3 : memref<640x64xf32, #tpu.memory_space<vmem_shared>>) target_semaphore(%arg12 : memref<!tpu.dma_semaphore, #tpu.memory_space<semaphore_mem>>)
    "tpu.region"() ({
      %run_scoped3A = tpu.sem_alloc : memref<!tpu.dma_semaphore, #tpu.memory_space<semaphore_mem>>
      %dma_start3A_44 = arith.constant 0 : i32
      %dma_start3A_45 = arith.constant 0 : i32
      %dma_start3A_46 = tpu.memref_slice %arg3[%add3A, %dma_start3A_44, %dma_start3A_45] : memref<32x20x500xi32, #tpu.memory_space<hbm>> -> memref<1x20x500xi32, #tpu.memory_space<hbm>>
      %dma_start3A_47 = tpu.memref_squeeze %dma_start3A_46 : memref<1x20x500xi32, #tpu.memory_space<hbm>> -> memref<20x500xi32, #tpu.memory_space<hbm>>
      %dma_start3A_48 = arith.constant 0 : i32
      %dma_start3A_49 = arith.constant 0 : i32
      %dma_start3A_50 = tpu.memref_slice %arg3[%add3A, %dma_start3A_48, %dma_start3A_49] : memref<32x20x500xi32, #tpu.memory_space<hbm>> -> memref<1x20x500xi32, #tpu.memory_space<hbm>>
      %dma_start3A_51 = tpu.memref_squeeze %dma_start3A_50 : memref<1x20x500xi32, #tpu.memory_space<hbm>> -> memref<20x500xi32, #tpu.memory_space<hbm>>
      tpu.enqueue_dma source(%dma_start3A_51 : memref<20x500xi32, #tpu.memory_space<hbm>>) target(%arg7 : memref<20x500xi32, #tpu.memory_space<vmem>>) target_semaphore(%run_scoped3A : memref<!tpu.dma_semaphore, #tpu.memory_space<semaphore_mem>>)
      %dma_wait3A_52 = arith.constant 0 : i32
      %dma_wait3A_53 = arith.constant 0 : i32
      %dma_wait3A_54 = tpu.memref_slice %arg3[%add3A, %dma_wait3A_52, %dma_wait3A_53] : memref<32x20x500xi32, #tpu.memory_space<hbm>> -> memref<1x20x500xi32, #tpu.memory_space<hbm>>
      %dma_wait3A_55 = tpu.memref_squeeze %dma_wait3A_54 : memref<1x20x500xi32, #tpu.memory_space<hbm>> -> memref<20x500xi32, #tpu.memory_space<hbm>>
      %dma_wait3A_56 = arith.constant 0 : i32
      %dma_wait3A_57 = arith.constant 0 : i32
      %dma_wait3A_58 = tpu.memref_slice %arg3[%add3A, %dma_wait3A_56, %dma_wait3A_57] : memref<32x20x500xi32, #tpu.memory_space<hbm>> -> memref<1x20x500xi32, #tpu.memory_space<hbm>>
      %dma_wait3A_59 = tpu.memref_squeeze %dma_wait3A_58 : memref<1x20x500xi32, #tpu.memory_space<hbm>> -> memref<20x500xi32, #tpu.memory_space<hbm>>
      tpu.wait_dma2 semaphore(%run_scoped3A : memref<!tpu.dma_semaphore, #tpu.memory_space<semaphore_mem>>) src(%dma_wait3A_59 : memref<20x500xi32, #tpu.memory_space<hbm>>) dst(%arg7 : memref<20x500xi32, #tpu.memory_space<vmem>>)
      tpu.yield
    }) : () -> ()
    "tpu.region"() ({
      %run_scoped3A = tpu.sem_alloc : memref<!tpu.dma_semaphore, #tpu.memory_space<semaphore_mem>>
      %dma_start3A_44 = arith.constant 0 : i32
      %dma_start3A_45 = arith.constant 0 : i32
      %dma_start3A_46 = tpu.memref_slice %arg4[%add3A, %dma_start3A_44, %dma_start3A_45] : memref<32x80x125xi32, #tpu.memory_space<hbm>> -> memref<1x80x125xi32, #tpu.memory_space<hbm>>
      %dma_start3A_47 = tpu.memref_squeeze %dma_start3A_46 : memref<1x80x125xi32, #tpu.memory_space<hbm>> -> memref<80x125xi32, #tpu.memory_space<hbm>>
      %dma_start3A_48 = arith.constant 0 : i32
      %dma_start3A_49 = arith.constant 0 : i32
      %dma_start3A_50 = tpu.memref_slice %arg4[%add3A, %dma_start3A_48, %dma_start3A_49] : memref<32x80x125xi32, #tpu.memory_space<hbm>> -> memref<1x80x125xi32, #tpu.memory_space<hbm>>
      %dma_start3A_51 = tpu.memref_squeeze %dma_start3A_50 : memref<1x80x125xi32, #tpu.memory_space<hbm>> -> memref<80x125xi32, #tpu.memory_space<hbm>>
      tpu.enqueue_dma source(%dma_start3A_51 : memref<80x125xi32, #tpu.memory_space<hbm>>) target(%arg8 : memref<80x125xi32, #tpu.memory_space<vmem>>) target_semaphore(%run_scoped3A : memref<!tpu.dma_semaphore, #tpu.memory_space<semaphore_mem>>)
      %dma_wait3A_52 = arith.constant 0 : i32
      %dma_wait3A_53 = arith.constant 0 : i32
      %dma_wait3A_54 = tpu.memref_slice %arg4[%add3A, %dma_wait3A_52, %dma_wait3A_53] : memref<32x80x125xi32, #tpu.memory_space<hbm>> -> memref<1x80x125xi32, #tpu.memory_space<hbm>>
      %dma_wait3A_55 = tpu.memref_squeeze %dma_wait3A_54 : memref<1x80x125xi32, #tpu.memory_space<hbm>> -> memref<80x125xi32, #tpu.memory_space<hbm>>
      %dma_wait3A_56 = arith.constant 0 : i32
      %dma_wait3A_57 = arith.constant 0 : i32
      %dma_wait3A_58 = tpu.memref_slice %arg4[%add3A, %dma_wait3A_56, %dma_wait3A_57] : memref<32x80x125xi32, #tpu.memory_space<hbm>> -> memref<1x80x125xi32, #tpu.memory_space<hbm>>
      %dma_wait3A_59 = tpu.memref_squeeze %dma_wait3A_58 : memref<1x80x125xi32, #tpu.memory_space<hbm>> -> memref<80x125xi32, #tpu.memory_space<hbm>>
      tpu.wait_dma2 semaphore(%run_scoped3A : memref<!tpu.dma_semaphore, #tpu.memory_space<semaphore_mem>>) src(%dma_wait3A_59 : memref<80x125xi32, #tpu.memory_space<hbm>>) dst(%arg8 : memref<80x125xi32, #tpu.memory_space<vmem>>)
      tpu.yield
    }) : () -> ()
    %dma_wait3A = arith.constant 0 : i32
    %dma_wait3A_6 = tpu.memref_slice %arg11[%mul3A_2, %dma_wait3A] : memref<10240x64xf32, #tpu.memory_space<vmem_shared>> -> memref<640x64xf32, #tpu.memory_space<vmem_shared>>
    %dma_wait3A_7 = arith.constant 0 : i32
    %dma_wait3A_8 = tpu.memref_slice %arg5[%mul3A_2, %dma_wait3A_7] : memref<10240x64xf32, #tpu.memory_space<hbm>> -> memref<640x64xf32, #tpu.memory_space<hbm>>
    tpu.wait_dma2 semaphore(%arg12 : memref<!tpu.dma_semaphore, #tpu.memory_space<semaphore_mem>>) src(%dma_wait3A_8 : memref<640x64xf32, #tpu.memory_space<hbm>>) dst(%dma_wait3A_6 : memref<640x64xf32, #tpu.memory_space<vmem_shared>>)
    %barrier3A = arith.constant 0 : index
    tpu.barrier barrier_id(%barrier3A)
    %dma_start3A_9 = arith.constant 0 : i32
    %dma_start3A_10 = arith.constant 0 : i32
    %dma_start3A_11 = tpu.memref_slice %arg7[%dma_start3A_9, %dma_start3A_10] : memref<20x500xi32, #tpu.memory_space<vmem>> -> memref<1x500xi32, #tpu.memory_space<vmem>>
    %dma_start3A_12 = tpu.memref_squeeze %dma_start3A_11 : memref<1x500xi32, #tpu.memory_space<vmem>> -> memref<500xi32, #tpu.memory_space<vmem>>
    %dma_start3A_13 = arith.constant 0 : i32
    %dma_start3A_14 = arith.constant 0 : i32
    %dma_start3A_15 = tpu.memref_slice %arg2[%dma_start3A_13, %dma_start3A_14] : memref<10000x64xf32, #tpu.memory_space<hbm>> -> memref<10000x64xf32, #tpu.memory_space<hbm>>
    tpu.enqueue_indirect_dma source(%dma_start3A_15 : memref<10000x64xf32, #tpu.memory_space<hbm>>) target(%arg9 : memref<500x64xf32, #tpu.memory_space<vmem>>) offsets(%dma_start3A_12 : memref<500xi32, #tpu.memory_space<vmem>>) semaphore(%arg12 : memref<!tpu.dma_semaphore, #tpu.memory_space<semaphore_mem>>)
    %dma_start3A_16 = arith.constant 1 : i32
    %dma_start3A_17 = arith.constant 0 : i32
    %dma_start3A_18 = tpu.memref_slice %arg7[%dma_start3A_16, %dma_start3A_17] : memref<20x500xi32, #tpu.memory_space<vmem>> -> memref<1x500xi32, #tpu.memory_space<vmem>>
    %dma_start3A_19 = tpu.memref_squeeze %dma_start3A_18 : memref<1x500xi32, #tpu.memory_space<vmem>> -> memref<500xi32, #tpu.memory_space<vmem>>
    %dma_start3A_20 = arith.constant 0 : i32
    %dma_start3A_21 = arith.constant 0 : i32
    %dma_start3A_22 = tpu.memref_slice %arg2[%dma_start3A_20, %dma_start3A_21] : memref<10000x64xf32, #tpu.memory_space<hbm>> -> memref<10000x64xf32, #tpu.memory_space<hbm>>
    tpu.enqueue_indirect_dma source(%dma_start3A_22 : memref<10000x64xf32, #tpu.memory_space<hbm>>) target(%arg10 : memref<500x64xf32, #tpu.memory_space<vmem>>) offsets(%dma_start3A_19 : memref<500xi32, #tpu.memory_space<vmem>>) semaphore(%arg13 : memref<!tpu.dma_semaphore, #tpu.memory_space<semaphore_mem>>)
    %scan3A = arith.constant 0 : i32
    %scan3A_23 = arith.constant 10 : i32
    %scan3A_24 = arith.addi %scan3A, %scan3A_23 : i32
    %scan3A_25 = arith.constant 1 : i32
    scf.for %scan3A_44 = %scan3A to %scan3A_24 step %scan3A_25  : i32 {
      %mul3A_45 = arith.constant 1 : i32
      %mul3A_46 = arith.muli %scan3A_44, %mul3A_45 : i32
      %add3A_47 = arith.constant 0 : i32
      %add3A_48 = arith.addi %add3A_47, %mul3A_46 : i32
      %mul3A_49 = arith.constant 2 : i32
      %mul3A_50 = arith.muli %mul3A_49, %add3A_48 : i32
      %add3A_51 = arith.constant 1 : i32
      %add3A_52 = arith.addi %mul3A_50, %add3A_51 : i32
      %dma_wait3A_53 = arith.constant 0 : i32
      %dma_wait3A_54 = tpu.memref_slice %arg7[%mul3A_50, %dma_wait3A_53] : memref<20x500xi32, #tpu.memory_space<vmem>> -> memref<1x500xi32, #tpu.memory_space<vmem>>
      %dma_wait3A_55 = tpu.memref_squeeze %dma_wait3A_54 : memref<1x500xi32, #tpu.memory_space<vmem>> -> memref<500xi32, #tpu.memory_space<vmem>>
      %dma_wait3A_56 = arith.constant 0 : i32
      %dma_wait3A_57 = arith.constant 0 : i32
      %dma_wait3A_58 = tpu.memref_slice %arg2[%dma_wait3A_56, %dma_wait3A_57] : memref<10000x64xf32, #tpu.memory_space<hbm>> -> memref<10000x64xf32, #tpu.memory_space<hbm>>
      tpu.wait_indirect_dma semaphore(%arg12 : memref<!tpu.dma_semaphore, #tpu.memory_space<semaphore_mem>>) src(%dma_wait3A_58 : memref<10000x64xf32, #tpu.memory_space<hbm>>) dst(%arg9 : memref<500x64xf32, #tpu.memory_space<vmem>>)
      %mul3A_59 = arith.constant 4 : i32
      %mul3A_60 = arith.muli %mul3A_50, %mul3A_59 : i32
      %add3A_61 = arith.constant 0 : i32
      %add3A_62 = arith.addi %mul3A_60, %add3A_61 : i32
      "tpu.region"() ({
        %run_scoped3A = tpu.sem_alloc : memref<!tpu.dma_semaphore, #tpu.memory_space<semaphore_mem>>
        %dma_start3A_116 = arith.constant 0 : i32
        %dma_start3A_117 = arith.constant 0 : i32
        %dma_start3A_118 = tpu.memref_slice %arg9[%dma_start3A_116, %dma_start3A_117] : memref<500x64xf32, #tpu.memory_space<vmem>> -> memref<125x64xf32, #tpu.memory_space<vmem>>
        %dma_start3A_119 = arith.constant 0 : i32
        %dma_start3A_120 = tpu.memref_slice %arg8[%add3A_62, %dma_start3A_119] : memref<80x125xi32, #tpu.memory_space<vmem>> -> memref<1x125xi32, #tpu.memory_space<vmem>>
        %dma_start3A_121 = tpu.memref_squeeze %dma_start3A_120 : memref<1x125xi32, #tpu.memory_space<vmem>> -> memref<125xi32, #tpu.memory_space<vmem>>
        %dma_start3A_122 = arith.constant 0 : i32
        %dma_start3A_123 = arith.constant 0 : i32
        %dma_start3A_124 = tpu.memref_slice %arg11[%dma_start3A_122, %dma_start3A_123] : memref<10240x64xf32, #tpu.memory_space<vmem_shared>> -> memref<10240x64xf32, #tpu.memory_space<vmem_shared>>
        tpu.enqueue_indirect_dma source(%dma_start3A_118 : memref<125x64xf32, #tpu.memory_space<vmem>>) target(%dma_start3A_124 : memref<10240x64xf32, #tpu.memory_space<vmem_shared>>) offsets(%dma_start3A_121 : memref<125xi32, #tpu.memory_space<vmem>>) semaphore(%run_scoped3A : memref<!tpu.dma_semaphore, #tpu.memory_space<semaphore_mem>>) {add = true}
        %dma_wait3A_125 = arith.constant 0 : i32
        %dma_wait3A_126 = arith.constant 0 : i32
        %dma_wait3A_127 = tpu.memref_slice %arg9[%dma_wait3A_125, %dma_wait3A_126] : memref<500x64xf32, #tpu.memory_space<vmem>> -> memref<125x64xf32, #tpu.memory_space<vmem>>
        %dma_wait3A_128 = arith.constant 0 : i32
        %dma_wait3A_129 = tpu.memref_slice %arg8[%add3A_62, %dma_wait3A_128] : memref<80x125xi32, #tpu.memory_space<vmem>> -> memref<1x125xi32, #tpu.memory_space<vmem>>
        %dma_wait3A_130 = tpu.memref_squeeze %dma_wait3A_129 : memref<1x125xi32, #tpu.memory_space<vmem>> -> memref<125xi32, #tpu.memory_space<vmem>>
        %dma_wait3A_131 = arith.constant 0 : i32
        %dma_wait3A_132 = arith.constant 0 : i32
        %dma_wait3A_133 = tpu.memref_slice %arg11[%dma_wait3A_131, %dma_wait3A_132] : memref<10240x64xf32, #tpu.memory_space<vmem_shared>> -> memref<10240x64xf32, #tpu.memory_space<vmem_shared>>
        tpu.wait_indirect_dma semaphore(%run_scoped3A : memref<!tpu.dma_semaphore, #tpu.memory_space<semaphore_mem>>) src(%dma_wait3A_127 : memref<125x64xf32, #tpu.memory_space<vmem>>) dst(%dma_wait3A_133 : memref<10240x64xf32, #tpu.memory_space<vmem_shared>>)
        tpu.yield
      }) : () -> ()
      %mul3A_63 = arith.constant 4 : i32
      %mul3A_64 = arith.muli %mul3A_50, %mul3A_63 : i32
      %add3A_65 = arith.constant 1 : i32
      %add3A_66 = arith.addi %mul3A_64, %add3A_65 : i32
      "tpu.region"() ({
        %run_scoped3A = tpu.sem_alloc : memref<!tpu.dma_semaphore, #tpu.memory_space<semaphore_mem>>
        %dma_start3A_116 = arith.constant 125 : i32
        %dma_start3A_117 = arith.constant 0 : i32
        %dma_start3A_118 = tpu.memref_slice %arg9[%dma_start3A_116, %dma_start3A_117] : memref<500x64xf32, #tpu.memory_space<vmem>> -> memref<125x64xf32, #tpu.memory_space<vmem>>
        %dma_start3A_119 = arith.constant 0 : i32
        %dma_start3A_120 = tpu.memref_slice %arg8[%add3A_66, %dma_start3A_119] : memref<80x125xi32, #tpu.memory_space<vmem>> -> memref<1x125xi32, #tpu.memory_space<vmem>>
        %dma_start3A_121 = tpu.memref_squeeze %dma_start3A_120 : memref<1x125xi32, #tpu.memory_space<vmem>> -> memref<125xi32, #tpu.memory_space<vmem>>
        %dma_start3A_122 = arith.constant 0 : i32
        %dma_start3A_123 = arith.constant 0 : i32
        %dma_start3A_124 = tpu.memref_slice %arg11[%dma_start3A_122, %dma_start3A_123] : memref<10240x64xf32, #tpu.memory_space<vmem_shared>> -> memref<10240x64xf32, #tpu.memory_space<vmem_shared>>
        tpu.enqueue_indirect_dma source(%dma_start3A_118 : memref<125x64xf32, #tpu.memory_space<vmem>>) target(%dma_start3A_124 : memref<10240x64xf32, #tpu.memory_space<vmem_shared>>) offsets(%dma_start3A_121 : memref<125xi32, #tpu.memory_space<vmem>>) semaphore(%run_scoped3A : memref<!tpu.dma_semaphore, #tpu.memory_space<semaphore_mem>>) {add = true}
        %dma_wait3A_125 = arith.constant 125 : i32
        %dma_wait3A_126 = arith.constant 0 : i32
        %dma_wait3A_127 = tpu.memref_slice %arg9[%dma_wait3A_125, %dma_wait3A_126] : memref<500x64xf32, #tpu.memory_space<vmem>> -> memref<125x64xf32, #tpu.memory_space<vmem>>
        %dma_wait3A_128 = arith.constant 0 : i32
        %dma_wait3A_129 = tpu.memref_slice %arg8[%add3A_66, %dma_wait3A_128] : memref<80x125xi32, #tpu.memory_space<vmem>> -> memref<1x125xi32, #tpu.memory_space<vmem>>
        %dma_wait3A_130 = tpu.memref_squeeze %dma_wait3A_129 : memref<1x125xi32, #tpu.memory_space<vmem>> -> memref<125xi32, #tpu.memory_space<vmem>>
        %dma_wait3A_131 = arith.constant 0 : i32
        %dma_wait3A_132 = arith.constant 0 : i32
        %dma_wait3A_133 = tpu.memref_slice %arg11[%dma_wait3A_131, %dma_wait3A_132] : memref<10240x64xf32, #tpu.memory_space<vmem_shared>> -> memref<10240x64xf32, #tpu.memory_space<vmem_shared>>
        tpu.wait_indirect_dma semaphore(%run_scoped3A : memref<!tpu.dma_semaphore, #tpu.memory_space<semaphore_mem>>) src(%dma_wait3A_127 : memref<125x64xf32, #tpu.memory_space<vmem>>) dst(%dma_wait3A_133 : memref<10240x64xf32, #tpu.memory_space<vmem_shared>>)
        tpu.yield
      }) : () -> ()
      %mul3A_67 = arith.constant 4 : i32
      %mul3A_68 = arith.muli %mul3A_50, %mul3A_67 : i32
      %add3A_69 = arith.constant 2 : i32
      %add3A_70 = arith.addi %mul3A_68, %add3A_69 : i32
      "tpu.region"() ({
        %run_scoped3A = tpu.sem_alloc : memref<!tpu.dma_semaphore, #tpu.memory_space<semaphore_mem>>
        %dma_start3A_116 = arith.constant 250 : i32
        %dma_start3A_117 = arith.constant 0 : i32
        %dma_start3A_118 = tpu.memref_slice %arg9[%dma_start3A_116, %dma_start3A_117] : memref<500x64xf32, #tpu.memory_space<vmem>> -> memref<125x64xf32, #tpu.memory_space<vmem>>
        %dma_start3A_119 = arith.constant 0 : i32
        %dma_start3A_120 = tpu.memref_slice %arg8[%add3A_70, %dma_start3A_119] : memref<80x125xi32, #tpu.memory_space<vmem>> -> memref<1x125xi32, #tpu.memory_space<vmem>>
        %dma_start3A_121 = tpu.memref_squeeze %dma_start3A_120 : memref<1x125xi32, #tpu.memory_space<vmem>> -> memref<125xi32, #tpu.memory_space<vmem>>
        %dma_start3A_122 = arith.constant 0 : i32
        %dma_start3A_123 = arith.constant 0 : i32
        %dma_start3A_124 = tpu.memref_slice %arg11[%dma_start3A_122, %dma_start3A_123] : memref<10240x64xf32, #tpu.memory_space<vmem_shared>> -> memref<10240x64xf32, #tpu.memory_space<vmem_shared>>
        tpu.enqueue_indirect_dma source(%dma_start3A_118 : memref<125x64xf32, #tpu.memory_space<vmem>>) target(%dma_start3A_124 : memref<10240x64xf32, #tpu.memory_space<vmem_shared>>) offsets(%dma_start3A_121 : memref<125xi32, #tpu.memory_space<vmem>>) semaphore(%run_scoped3A : memref<!tpu.dma_semaphore, #tpu.memory_space<semaphore_mem>>) {add = true}
        %dma_wait3A_125 = arith.constant 250 : i32
        %dma_wait3A_126 = arith.constant 0 : i32
        %dma_wait3A_127 = tpu.memref_slice %arg9[%dma_wait3A_125, %dma_wait3A_126] : memref<500x64xf32, #tpu.memory_space<vmem>> -> memref<125x64xf32, #tpu.memory_space<vmem>>
        %dma_wait3A_128 = arith.constant 0 : i32
        %dma_wait3A_129 = tpu.memref_slice %arg8[%add3A_70, %dma_wait3A_128] : memref<80x125xi32, #tpu.memory_space<vmem>> -> memref<1x125xi32, #tpu.memory_space<vmem>>
        %dma_wait3A_130 = tpu.memref_squeeze %dma_wait3A_129 : memref<1x125xi32, #tpu.memory_space<vmem>> -> memref<125xi32, #tpu.memory_space<vmem>>
        %dma_wait3A_131 = arith.constant 0 : i32
        %dma_wait3A_132 = arith.constant 0 : i32
        %dma_wait3A_133 = tpu.memref_slice %arg11[%dma_wait3A_131, %dma_wait3A_132] : memref<10240x64xf32, #tpu.memory_space<vmem_shared>> -> memref<10240x64xf32, #tpu.memory_space<vmem_shared>>
        tpu.wait_indirect_dma semaphore(%run_scoped3A : memref<!tpu.dma_semaphore, #tpu.memory_space<semaphore_mem>>) src(%dma_wait3A_127 : memref<125x64xf32, #tpu.memory_space<vmem>>) dst(%dma_wait3A_133 : memref<10240x64xf32, #tpu.memory_space<vmem_shared>>)
        tpu.yield
      }) : () -> ()
      %mul3A_71 = arith.constant 4 : i32
      %mul3A_72 = arith.muli %mul3A_50, %mul3A_71 : i32
      %add3A_73 = arith.constant 3 : i32
      %add3A_74 = arith.addi %mul3A_72, %add3A_73 : i32
      "tpu.region"() ({
        %run_scoped3A = tpu.sem_alloc : memref<!tpu.dma_semaphore, #tpu.memory_space<semaphore_mem>>
        %dma_start3A_116 = arith.constant 375 : i32
        %dma_start3A_117 = arith.constant 0 : i32
        %dma_start3A_118 = tpu.memref_slice %arg9[%dma_start3A_116, %dma_start3A_117] : memref<500x64xf32, #tpu.memory_space<vmem>> -> memref<125x64xf32, #tpu.memory_space<vmem>>
        %dma_start3A_119 = arith.constant 0 : i32
        %dma_start3A_120 = tpu.memref_slice %arg8[%add3A_74, %dma_start3A_119] : memref<80x125xi32, #tpu.memory_space<vmem>> -> memref<1x125xi32, #tpu.memory_space<vmem>>
        %dma_start3A_121 = tpu.memref_squeeze %dma_start3A_120 : memref<1x125xi32, #tpu.memory_space<vmem>> -> memref<125xi32, #tpu.memory_space<vmem>>
        %dma_start3A_122 = arith.constant 0 : i32
        %dma_start3A_123 = arith.constant 0 : i32
        %dma_start3A_124 = tpu.memref_slice %arg11[%dma_start3A_122, %dma_start3A_123] : memref<10240x64xf32, #tpu.memory_space<vmem_shared>> -> memref<10240x64xf32, #tpu.memory_space<vmem_shared>>
        tpu.enqueue_indirect_dma source(%dma_start3A_118 : memref<125x64xf32, #tpu.memory_space<vmem>>) target(%dma_start3A_124 : memref<10240x64xf32, #tpu.memory_space<vmem_shared>>) offsets(%dma_start3A_121 : memref<125xi32, #tpu.memory_space<vmem>>) semaphore(%run_scoped3A : memref<!tpu.dma_semaphore, #tpu.memory_space<semaphore_mem>>) {add = true}
        %dma_wait3A_125 = arith.constant 375 : i32
        %dma_wait3A_126 = arith.constant 0 : i32
        %dma_wait3A_127 = tpu.memref_slice %arg9[%dma_wait3A_125, %dma_wait3A_126] : memref<500x64xf32, #tpu.memory_space<vmem>> -> memref<125x64xf32, #tpu.memory_space<vmem>>
        %dma_wait3A_128 = arith.constant 0 : i32
        %dma_wait3A_129 = tpu.memref_slice %arg8[%add3A_74, %dma_wait3A_128] : memref<80x125xi32, #tpu.memory_space<vmem>> -> memref<1x125xi32, #tpu.memory_space<vmem>>
        %dma_wait3A_130 = tpu.memref_squeeze %dma_wait3A_129 : memref<1x125xi32, #tpu.memory_space<vmem>> -> memref<125xi32, #tpu.memory_space<vmem>>
        %dma_wait3A_131 = arith.constant 0 : i32
        %dma_wait3A_132 = arith.constant 0 : i32
        %dma_wait3A_133 = tpu.memref_slice %arg11[%dma_wait3A_131, %dma_wait3A_132] : memref<10240x64xf32, #tpu.memory_space<vmem_shared>> -> memref<10240x64xf32, #tpu.memory_space<vmem_shared>>
        tpu.wait_indirect_dma semaphore(%run_scoped3A : memref<!tpu.dma_semaphore, #tpu.memory_space<semaphore_mem>>) src(%dma_wait3A_127 : memref<125x64xf32, #tpu.memory_space<vmem>>) dst(%dma_wait3A_133 : memref<10240x64xf32, #tpu.memory_space<vmem_shared>>)
        tpu.yield
      }) : () -> ()
      %add3A_75 = arith.constant 2 : i32
      %add3A_76 = arith.addi %mul3A_50, %add3A_75 : i32
      %rem3A = arith.constant 20 : i32
      %rem3A_77 = arith.remsi %add3A_76, %rem3A : i32
      %dma_start3A_78 = arith.constant 0 : i32
      %dma_start3A_79 = tpu.memref_slice %arg7[%rem3A_77, %dma_start3A_78] : memref<20x500xi32, #tpu.memory_space<vmem>> -> memref<1x500xi32, #tpu.memory_space<vmem>>
      %dma_start3A_80 = tpu.memref_squeeze %dma_start3A_79 : memref<1x500xi32, #tpu.memory_space<vmem>> -> memref<500xi32, #tpu.memory_space<vmem>>
      %dma_start3A_81 = arith.constant 0 : i32
      %dma_start3A_82 = arith.constant 0 : i32
      %dma_start3A_83 = tpu.memref_slice %arg2[%dma_start3A_81, %dma_start3A_82] : memref<10000x64xf32, #tpu.memory_space<hbm>> -> memref<10000x64xf32, #tpu.memory_space<hbm>>
      tpu.enqueue_indirect_dma source(%dma_start3A_83 : memref<10000x64xf32, #tpu.memory_space<hbm>>) target(%arg9 : memref<500x64xf32, #tpu.memory_space<vmem>>) offsets(%dma_start3A_80 : memref<500xi32, #tpu.memory_space<vmem>>) semaphore(%arg12 : memref<!tpu.dma_semaphore, #tpu.memory_space<semaphore_mem>>)
      %dma_wait3A_84 = arith.constant 0 : i32
      %dma_wait3A_85 = tpu.memref_slice %arg7[%add3A_52, %dma_wait3A_84] : memref<20x500xi32, #tpu.memory_space<vmem>> -> memref<1x500xi32, #tpu.memory_space<vmem>>
      %dma_wait3A_86 = tpu.memref_squeeze %dma_wait3A_85 : memref<1x500xi32, #tpu.memory_space<vmem>> -> memref<500xi32, #tpu.memory_space<vmem>>
      %dma_wait3A_87 = arith.constant 0 : i32
      %dma_wait3A_88 = arith.constant 0 : i32
      %dma_wait3A_89 = tpu.memref_slice %arg2[%dma_wait3A_87, %dma_wait3A_88] : memref<10000x64xf32, #tpu.memory_space<hbm>> -> memref<10000x64xf32, #tpu.memory_space<hbm>>
      tpu.wait_indirect_dma semaphore(%arg13 : memref<!tpu.dma_semaphore, #tpu.memory_space<semaphore_mem>>) src(%dma_wait3A_89 : memref<10000x64xf32, #tpu.memory_space<hbm>>) dst(%arg10 : memref<500x64xf32, #tpu.memory_space<vmem>>)
      %mul3A_90 = arith.constant 4 : i32
      %mul3A_91 = arith.muli %add3A_52, %mul3A_90 : i32
      %add3A_92 = arith.constant 0 : i32
      %add3A_93 = arith.addi %mul3A_91, %add3A_92 : i32
      "tpu.region"() ({
        %run_scoped3A = tpu.sem_alloc : memref<!tpu.dma_semaphore, #tpu.memory_space<semaphore_mem>>
        %dma_start3A_116 = arith.constant 0 : i32
        %dma_start3A_117 = arith.constant 0 : i32
        %dma_start3A_118 = tpu.memref_slice %arg10[%dma_start3A_116, %dma_start3A_117] : memref<500x64xf32, #tpu.memory_space<vmem>> -> memref<125x64xf32, #tpu.memory_space<vmem>>
        %dma_start3A_119 = arith.constant 0 : i32
        %dma_start3A_120 = tpu.memref_slice %arg8[%add3A_93, %dma_start3A_119] : memref<80x125xi32, #tpu.memory_space<vmem>> -> memref<1x125xi32, #tpu.memory_space<vmem>>
        %dma_start3A_121 = tpu.memref_squeeze %dma_start3A_120 : memref<1x125xi32, #tpu.memory_space<vmem>> -> memref<125xi32, #tpu.memory_space<vmem>>
        %dma_start3A_122 = arith.constant 0 : i32
        %dma_start3A_123 = arith.constant 0 : i32
        %dma_start3A_124 = tpu.memref_slice %arg11[%dma_start3A_122, %dma_start3A_123] : memref<10240x64xf32, #tpu.memory_space<vmem_shared>> -> memref<10240x64xf32, #tpu.memory_space<vmem_shared>>
        tpu.enqueue_indirect_dma source(%dma_start3A_118 : memref<125x64xf32, #tpu.memory_space<vmem>>) target(%dma_start3A_124 : memref<10240x64xf32, #tpu.memory_space<vmem_shared>>) offsets(%dma_start3A_121 : memref<125xi32, #tpu.memory_space<vmem>>) semaphore(%run_scoped3A : memref<!tpu.dma_semaphore, #tpu.memory_space<semaphore_mem>>) {add = true}
        %dma_wait3A_125 = arith.constant 0 : i32
        %dma_wait3A_126 = arith.constant 0 : i32
        %dma_wait3A_127 = tpu.memref_slice %arg10[%dma_wait3A_125, %dma_wait3A_126] : memref<500x64xf32, #tpu.memory_space<vmem>> -> memref<125x64xf32, #tpu.memory_space<vmem>>
        %dma_wait3A_128 = arith.constant 0 : i32
        %dma_wait3A_129 = tpu.memref_slice %arg8[%add3A_93, %dma_wait3A_128] : memref<80x125xi32, #tpu.memory_space<vmem>> -> memref<1x125xi32, #tpu.memory_space<vmem>>
        %dma_wait3A_130 = tpu.memref_squeeze %dma_wait3A_129 : memref<1x125xi32, #tpu.memory_space<vmem>> -> memref<125xi32, #tpu.memory_space<vmem>>
        %dma_wait3A_131 = arith.constant 0 : i32
        %dma_wait3A_132 = arith.constant 0 : i32
        %dma_wait3A_133 = tpu.memref_slice %arg11[%dma_wait3A_131, %dma_wait3A_132] : memref<10240x64xf32, #tpu.memory_space<vmem_shared>> -> memref<10240x64xf32, #tpu.memory_space<vmem_shared>>
        tpu.wait_indirect_dma semaphore(%run_scoped3A : memref<!tpu.dma_semaphore, #tpu.memory_space<semaphore_mem>>) src(%dma_wait3A_127 : memref<125x64xf32, #tpu.memory_space<vmem>>) dst(%dma_wait3A_133 : memref<10240x64xf32, #tpu.memory_space<vmem_shared>>)
        tpu.yield
      }) : () -> ()
      %mul3A_94 = arith.constant 4 : i32
      %mul3A_95 = arith.muli %add3A_52, %mul3A_94 : i32
      %add3A_96 = arith.constant 1 : i32
      %add3A_97 = arith.addi %mul3A_95, %add3A_96 : i32
      "tpu.region"() ({
        %run_scoped3A = tpu.sem_alloc : memref<!tpu.dma_semaphore, #tpu.memory_space<semaphore_mem>>
        %dma_start3A_116 = arith.constant 125 : i32
        %dma_start3A_117 = arith.constant 0 : i32
        %dma_start3A_118 = tpu.memref_slice %arg10[%dma_start3A_116, %dma_start3A_117] : memref<500x64xf32, #tpu.memory_space<vmem>> -> memref<125x64xf32, #tpu.memory_space<vmem>>
        %dma_start3A_119 = arith.constant 0 : i32
        %dma_start3A_120 = tpu.memref_slice %arg8[%add3A_97, %dma_start3A_119] : memref<80x125xi32, #tpu.memory_space<vmem>> -> memref<1x125xi32, #tpu.memory_space<vmem>>
        %dma_start3A_121 = tpu.memref_squeeze %dma_start3A_120 : memref<1x125xi32, #tpu.memory_space<vmem>> -> memref<125xi32, #tpu.memory_space<vmem>>
        %dma_start3A_122 = arith.constant 0 : i32
        %dma_start3A_123 = arith.constant 0 : i32
        %dma_start3A_124 = tpu.memref_slice %arg11[%dma_start3A_122, %dma_start3A_123] : memref<10240x64xf32, #tpu.memory_space<vmem_shared>> -> memref<10240x64xf32, #tpu.memory_space<vmem_shared>>
        tpu.enqueue_indirect_dma source(%dma_start3A_118 : memref<125x64xf32, #tpu.memory_space<vmem>>) target(%dma_start3A_124 : memref<10240x64xf32, #tpu.memory_space<vmem_shared>>) offsets(%dma_start3A_121 : memref<125xi32, #tpu.memory_space<vmem>>) semaphore(%run_scoped3A : memref<!tpu.dma_semaphore, #tpu.memory_space<semaphore_mem>>) {add = true}
        %dma_wait3A_125 = arith.constant 125 : i32
        %dma_wait3A_126 = arith.constant 0 : i32
        %dma_wait3A_127 = tpu.memref_slice %arg10[%dma_wait3A_125, %dma_wait3A_126] : memref<500x64xf32, #tpu.memory_space<vmem>> -> memref<125x64xf32, #tpu.memory_space<vmem>>
        %dma_wait3A_128 = arith.constant 0 : i32
        %dma_wait3A_129 = tpu.memref_slice %arg8[%add3A_97, %dma_wait3A_128] : memref<80x125xi32, #tpu.memory_space<vmem>> -> memref<1x125xi32, #tpu.memory_space<vmem>>
        %dma_wait3A_130 = tpu.memref_squeeze %dma_wait3A_129 : memref<1x125xi32, #tpu.memory_space<vmem>> -> memref<125xi32, #tpu.memory_space<vmem>>
        %dma_wait3A_131 = arith.constant 0 : i32
        %dma_wait3A_132 = arith.constant 0 : i32
        %dma_wait3A_133 = tpu.memref_slice %arg11[%dma_wait3A_131, %dma_wait3A_132] : memref<10240x64xf32, #tpu.memory_space<vmem_shared>> -> memref<10240x64xf32, #tpu.memory_space<vmem_shared>>
        tpu.wait_indirect_dma semaphore(%run_scoped3A : memref<!tpu.dma_semaphore, #tpu.memory_space<semaphore_mem>>) src(%dma_wait3A_127 : memref<125x64xf32, #tpu.memory_space<vmem>>) dst(%dma_wait3A_133 : memref<10240x64xf32, #tpu.memory_space<vmem_shared>>)
        tpu.yield
      }) : () -> ()
      %mul3A_98 = arith.constant 4 : i32
      %mul3A_99 = arith.muli %add3A_52, %mul3A_98 : i32
      %add3A_100 = arith.constant 2 : i32
      %add3A_101 = arith.addi %mul3A_99, %add3A_100 : i32
      "tpu.region"() ({
        %run_scoped3A = tpu.sem_alloc : memref<!tpu.dma_semaphore, #tpu.memory_space<semaphore_mem>>
        %dma_start3A_116 = arith.constant 250 : i32
        %dma_start3A_117 = arith.constant 0 : i32
        %dma_start3A_118 = tpu.memref_slice %arg10[%dma_start3A_116, %dma_start3A_117] : memref<500x64xf32, #tpu.memory_space<vmem>> -> memref<125x64xf32, #tpu.memory_space<vmem>>
        %dma_start3A_119 = arith.constant 0 : i32
        %dma_start3A_120 = tpu.memref_slice %arg8[%add3A_101, %dma_start3A_119] : memref<80x125xi32, #tpu.memory_space<vmem>> -> memref<1x125xi32, #tpu.memory_space<vmem>>
        %dma_start3A_121 = tpu.memref_squeeze %dma_start3A_120 : memref<1x125xi32, #tpu.memory_space<vmem>> -> memref<125xi32, #tpu.memory_space<vmem>>
        %dma_start3A_122 = arith.constant 0 : i32
        %dma_start3A_123 = arith.constant 0 : i32
        %dma_start3A_124 = tpu.memref_slice %arg11[%dma_start3A_122, %dma_start3A_123] : memref<10240x64xf32, #tpu.memory_space<vmem_shared>> -> memref<10240x64xf32, #tpu.memory_space<vmem_shared>>
        tpu.enqueue_indirect_dma source(%dma_start3A_118 : memref<125x64xf32, #tpu.memory_space<vmem>>) target(%dma_start3A_124 : memref<10240x64xf32, #tpu.memory_space<vmem_shared>>) offsets(%dma_start3A_121 : memref<125xi32, #tpu.memory_space<vmem>>) semaphore(%run_scoped3A : memref<!tpu.dma_semaphore, #tpu.memory_space<semaphore_mem>>) {add = true}
        %dma_wait3A_125 = arith.constant 250 : i32
        %dma_wait3A_126 = arith.constant 0 : i32
        %dma_wait3A_127 = tpu.memref_slice %arg10[%dma_wait3A_125, %dma_wait3A_126] : memref<500x64xf32, #tpu.memory_space<vmem>> -> memref<125x64xf32, #tpu.memory_space<vmem>>
        %dma_wait3A_128 = arith.constant 0 : i32
        %dma_wait3A_129 = tpu.memref_slice %arg8[%add3A_101, %dma_wait3A_128] : memref<80x125xi32, #tpu.memory_space<vmem>> -> memref<1x125xi32, #tpu.memory_space<vmem>>
        %dma_wait3A_130 = tpu.memref_squeeze %dma_wait3A_129 : memref<1x125xi32, #tpu.memory_space<vmem>> -> memref<125xi32, #tpu.memory_space<vmem>>
        %dma_wait3A_131 = arith.constant 0 : i32
        %dma_wait3A_132 = arith.constant 0 : i32
        %dma_wait3A_133 = tpu.memref_slice %arg11[%dma_wait3A_131, %dma_wait3A_132] : memref<10240x64xf32, #tpu.memory_space<vmem_shared>> -> memref<10240x64xf32, #tpu.memory_space<vmem_shared>>
        tpu.wait_indirect_dma semaphore(%run_scoped3A : memref<!tpu.dma_semaphore, #tpu.memory_space<semaphore_mem>>) src(%dma_wait3A_127 : memref<125x64xf32, #tpu.memory_space<vmem>>) dst(%dma_wait3A_133 : memref<10240x64xf32, #tpu.memory_space<vmem_shared>>)
        tpu.yield
      }) : () -> ()
      %mul3A_102 = arith.constant 4 : i32
      %mul3A_103 = arith.muli %add3A_52, %mul3A_102 : i32
      %add3A_104 = arith.constant 3 : i32
      %add3A_105 = arith.addi %mul3A_103, %add3A_104 : i32
      "tpu.region"() ({
        %run_scoped3A = tpu.sem_alloc : memref<!tpu.dma_semaphore, #tpu.memory_space<semaphore_mem>>
        %dma_start3A_116 = arith.constant 375 : i32
        %dma_start3A_117 = arith.constant 0 : i32
        %dma_start3A_118 = tpu.memref_slice %arg10[%dma_start3A_116, %dma_start3A_117] : memref<500x64xf32, #tpu.memory_space<vmem>> -> memref<125x64xf32, #tpu.memory_space<vmem>>
        %dma_start3A_119 = arith.constant 0 : i32
        %dma_start3A_120 = tpu.memref_slice %arg8[%add3A_105, %dma_start3A_119] : memref<80x125xi32, #tpu.memory_space<vmem>> -> memref<1x125xi32, #tpu.memory_space<vmem>>
        %dma_start3A_121 = tpu.memref_squeeze %dma_start3A_120 : memref<1x125xi32, #tpu.memory_space<vmem>> -> memref<125xi32, #tpu.memory_space<vmem>>
        %dma_start3A_122 = arith.constant 0 : i32
        %dma_start3A_123 = arith.constant 0 : i32
        %dma_start3A_124 = tpu.memref_slice %arg11[%dma_start3A_122, %dma_start3A_123] : memref<10240x64xf32, #tpu.memory_space<vmem_shared>> -> memref<10240x64xf32, #tpu.memory_space<vmem_shared>>
        tpu.enqueue_indirect_dma source(%dma_start3A_118 : memref<125x64xf32, #tpu.memory_space<vmem>>) target(%dma_start3A_124 : memref<10240x64xf32, #tpu.memory_space<vmem_shared>>) offsets(%dma_start3A_121 : memref<125xi32, #tpu.memory_space<vmem>>) semaphore(%run_scoped3A : memref<!tpu.dma_semaphore, #tpu.memory_space<semaphore_mem>>) {add = true}
        %dma_wait3A_125 = arith.constant 375 : i32
        %dma_wait3A_126 = arith.constant 0 : i32
        %dma_wait3A_127 = tpu.memref_slice %arg10[%dma_wait3A_125, %dma_wait3A_126] : memref<500x64xf32, #tpu.memory_space<vmem>> -> memref<125x64xf32, #tpu.memory_space<vmem>>
        %dma_wait3A_128 = arith.constant 0 : i32
        %dma_wait3A_129 = tpu.memref_slice %arg8[%add3A_105, %dma_wait3A_128] : memref<80x125xi32, #tpu.memory_space<vmem>> -> memref<1x125xi32, #tpu.memory_space<vmem>>
        %dma_wait3A_130 = tpu.memref_squeeze %dma_wait3A_129 : memref<1x125xi32, #tpu.memory_space<vmem>> -> memref<125xi32, #tpu.memory_space<vmem>>
        %dma_wait3A_131 = arith.constant 0 : i32
        %dma_wait3A_132 = arith.constant 0 : i32
        %dma_wait3A_133 = tpu.memref_slice %arg11[%dma_wait3A_131, %dma_wait3A_132] : memref<10240x64xf32, #tpu.memory_space<vmem_shared>> -> memref<10240x64xf32, #tpu.memory_space<vmem_shared>>
        tpu.wait_indirect_dma semaphore(%run_scoped3A : memref<!tpu.dma_semaphore, #tpu.memory_space<semaphore_mem>>) src(%dma_wait3A_127 : memref<125x64xf32, #tpu.memory_space<vmem>>) dst(%dma_wait3A_133 : memref<10240x64xf32, #tpu.memory_space<vmem_shared>>)
        tpu.yield
      }) : () -> ()
      %add3A_106 = arith.constant 2 : i32
      %add3A_107 = arith.addi %add3A_52, %add3A_106 : i32
      %rem3A_108 = arith.constant 20 : i32
      %rem3A_109 = arith.remsi %add3A_107, %rem3A_108 : i32
      %dma_start3A_110 = arith.constant 0 : i32
      %dma_start3A_111 = tpu.memref_slice %arg7[%rem3A_109, %dma_start3A_110] : memref<20x500xi32, #tpu.memory_space<vmem>> -> memref<1x500xi32, #tpu.memory_space<vmem>>
      %dma_start3A_112 = tpu.memref_squeeze %dma_start3A_111 : memref<1x500xi32, #tpu.memory_space<vmem>> -> memref<500xi32, #tpu.memory_space<vmem>>
      %dma_start3A_113 = arith.constant 0 : i32
      %dma_start3A_114 = arith.constant 0 : i32
      %dma_start3A_115 = tpu.memref_slice %arg2[%dma_start3A_113, %dma_start3A_114] : memref<10000x64xf32, #tpu.memory_space<hbm>> -> memref<10000x64xf32, #tpu.memory_space<hbm>>
      tpu.enqueue_indirect_dma source(%dma_start3A_115 : memref<10000x64xf32, #tpu.memory_space<hbm>>) target(%arg10 : memref<500x64xf32, #tpu.memory_space<vmem>>) offsets(%dma_start3A_112 : memref<500xi32, #tpu.memory_space<vmem>>) semaphore(%arg13 : memref<!tpu.dma_semaphore, #tpu.memory_space<semaphore_mem>>)
    }
    %scan3A_26 = arith.constant 10 : i32
    %dma_wait3A_27 = arith.constant 0 : i32
    %dma_wait3A_28 = arith.constant 0 : i32
    %dma_wait3A_29 = tpu.memref_slice %arg7[%dma_wait3A_27, %dma_wait3A_28] : memref<20x500xi32, #tpu.memory_space<vmem>> -> memref<1x500xi32, #tpu.memory_space<vmem>>
    %dma_wait3A_30 = tpu.memref_squeeze %dma_wait3A_29 : memref<1x500xi32, #tpu.memory_space<vmem>> -> memref<500xi32, #tpu.memory_space<vmem>>
    %dma_wait3A_31 = arith.constant 0 : i32
    %dma_wait3A_32 = arith.constant 0 : i32
    %dma_wait3A_33 = tpu.memref_slice %arg2[%dma_wait3A_31, %dma_wait3A_32] : memref<10000x64xf32, #tpu.memory_space<hbm>> -> memref<10000x64xf32, #tpu.memory_space<hbm>>
    tpu.wait_indirect_dma semaphore(%arg12 : memref<!tpu.dma_semaphore, #tpu.memory_space<semaphore_mem>>) src(%dma_wait3A_33 : memref<10000x64xf32, #tpu.memory_space<hbm>>) dst(%arg9 : memref<500x64xf32, #tpu.memory_space<vmem>>)
    %dma_wait3A_34 = arith.constant 1 : i32
    %dma_wait3A_35 = arith.constant 0 : i32
    %dma_wait3A_36 = tpu.memref_slice %arg7[%dma_wait3A_34, %dma_wait3A_35] : memref<20x500xi32, #tpu.memory_space<vmem>> -> memref<1x500xi32, #tpu.memory_space<vmem>>
    %dma_wait3A_37 = tpu.memref_squeeze %dma_wait3A_36 : memref<1x500xi32, #tpu.memory_space<vmem>> -> memref<500xi32, #tpu.memory_space<vmem>>
    %dma_wait3A_38 = arith.constant 0 : i32
    %dma_wait3A_39 = arith.constant 0 : i32
    %dma_wait3A_40 = tpu.memref_slice %arg2[%dma_wait3A_38, %dma_wait3A_39] : memref<10000x64xf32, #tpu.memory_space<hbm>> -> memref<10000x64xf32, #tpu.memory_space<hbm>>
    tpu.wait_indirect_dma semaphore(%arg13 : memref<!tpu.dma_semaphore, #tpu.memory_space<semaphore_mem>>) src(%dma_wait3A_40 : memref<10000x64xf32, #tpu.memory_space<hbm>>) dst(%arg10 : memref<500x64xf32, #tpu.memory_space<vmem>>)
    %barrier3A_41 = arith.constant 0 : index
    tpu.barrier barrier_id(%barrier3A_41)
    %mul3A_42 = arith.constant 64 : i32
    %mul3A_43 = arith.muli %arg0, %mul3A_42 : i32
    "tpu.region"() ({
      %run_scoped3A = tpu.sem_alloc : memref<!tpu.dma_semaphore, #tpu.memory_space<semaphore_mem>>
      %dma_start3A_44 = tpu.memref_slice %arg6[%mul3A_2, %mul3A_43] : memref<10240x128xf32, #tpu.memory_space<hbm>> -> memref<640x64xf32, #tpu.memory_space<hbm>>
      %dma_start3A_45 = arith.constant 0 : i32
      %dma_start3A_46 = tpu.memref_slice %arg11[%mul3A_2, %dma_start3A_45] : memref<10240x64xf32, #tpu.memory_space<vmem_shared>> -> memref<640x64xf32, #tpu.memory_space<vmem_shared>>
      tpu.enqueue_dma source(%dma_start3A_46 : memref<640x64xf32, #tpu.memory_space<vmem_shared>>) target(%dma_start3A_44 : memref<640x64xf32, #tpu.memory_space<hbm>>) target_semaphore(%run_scoped3A : memref<!tpu.dma_semaphore, #tpu.memory_space<semaphore_mem>>)
      %dma_wait3A_47 = tpu.memref_slice %arg6[%mul3A_2, %mul3A_43] : memref<10240x128xf32, #tpu.memory_space<hbm>> -> memref<640x64xf32, #tpu.memory_space<hbm>>
      %dma_wait3A_48 = arith.constant 0 : i32
      %dma_wait3A_49 = tpu.memref_slice %arg11[%mul3A_2, %dma_wait3A_48] : memref<10240x64xf32, #tpu.memory_space<vmem_shared>> -> memref<640x64xf32, #tpu.memory_space<vmem_shared>>
      tpu.wait_dma2 semaphore(%run_scoped3A : memref<!tpu.dma_semaphore, #tpu.memory_space<semaphore_mem>>) src(%dma_wait3A_49 : memref<640x64xf32, #tpu.memory_space<vmem_shared>>) dst(%dma_wait3A_47 : memref<640x64xf32, #tpu.memory_space<hbm>>)
      tpu.yield
    }) : () -> ()
    return
  }
}

#map = affine_map<(d0, d1) -> (0, 0)>
#map1 = affine_map<(d0, d1) -> (0, 0, 0)>
module attributes {stable_mosaic.version = 14 : i64} {
  func.func @_agg_sc(%arg0: i32, %arg1: i32, %arg2: memref<10000x64xf32, #tpu.memory_space<hbm>>, %arg3: memref<32x20x500xi32, #tpu.memory_space<hbm>>, %arg4: memref<32x80x125xi32, #tpu.memory_space<hbm>>, %arg5: memref<10240x64xf32, #tpu.memory_space<hbm>>, %arg6: memref<10240x128xf32, #tpu.memory_space<hbm>>, %arg7: memref<20x500xi32, #tpu.memory_space<vmem>>, %arg8: memref<80x125xi32, #tpu.memory_space<vmem>>, %arg9: memref<500x64xf32, #tpu.memory_space<vmem>>, %arg10: memref<500x64xf32, #tpu.memory_space<vmem>>, %arg11: memref<10240x64xf32, #tpu.memory_space<vmem_shared>>, %arg12: memref<!tpu.dma_semaphore, #tpu.memory_space<semaphore_mem>>, %arg13: memref<!tpu.dma_semaphore, #tpu.memory_space<semaphore_mem>>) attributes {dimension_semantics = [#tpu.dimension_semantics<core_parallel>, #tpu.dimension_semantics<subcore_parallel>], iteration_bounds = array<i64: 2, 16>, scalar_prefetch = 0 : i64, scratch_operands = 7 : i64, tpu.core_type = #tpu.core_type<sc_vector_subcore>, window_params = [{transform_indices = #map}, {transform_indices = #map1}, {transform_indices = #map1}, {transform_indices = #map}, {transform_indices = #map}]} {
    %mul3A = arith.constant 16 : i32
    %mul3A_0 = arith.muli %arg0, %mul3A : i32
    %add3A = arith.addi %mul3A_0, %arg1 : i32
    %mul3A_1 = arith.constant 640 : i32
    %mul3A_2 = arith.muli %arg1, %mul3A_1 : i32
    %dma_start3A = arith.constant 0 : i32
    %dma_start3A_3 = tpu.memref_slice %arg11[%mul3A_2, %dma_start3A] : memref<10240x64xf32, #tpu.memory_space<vmem_shared>> -> memref<640x64xf32, #tpu.memory_space<vmem_shared>>
    %dma_start3A_4 = arith.constant 0 : i32
    %dma_start3A_5 = tpu.memref_slice %arg5[%mul3A_2, %dma_start3A_4] : memref<10240x64xf32, #tpu.memory_space<hbm>> -> memref<640x64xf32, #tpu.memory_space<hbm>>
    tpu.enqueue_dma source(%dma_start3A_5 : memref<640x64xf32, #tpu.memory_space<hbm>>) target(%dma_start3A_3 : memref<640x64xf32, #tpu.memory_space<vmem_shared>>) target_semaphore(%arg12 : memref<!tpu.dma_semaphore, #tpu.memory_space<semaphore_mem>>)
    "tpu.region"() ({
      %run_scoped3A = tpu.sem_alloc : memref<!tpu.dma_semaphore, #tpu.memory_space<semaphore_mem>>
      %dma_start3A_44 = arith.constant 0 : i32
      %dma_start3A_45 = arith.constant 0 : i32
      %dma_start3A_46 = tpu.memref_slice %arg3[%add3A, %dma_start3A_44, %dma_start3A_45] : memref<32x20x500xi32, #tpu.memory_space<hbm>> -> memref<1x20x500xi32, #tpu.memory_space<hbm>>
      %dma_start3A_47 = tpu.memref_squeeze %dma_start3A_46 : memref<1x20x500xi32, #tpu.memory_space<hbm>> -> memref<20x500xi32, #tpu.memory_space<hbm>>
      %dma_start3A_48 = arith.constant 0 : i32
      %dma_start3A_49 = arith.constant 0 : i32
      %dma_start3A_50 = tpu.memref_slice %arg3[%add3A, %dma_start3A_48, %dma_start3A_49] : memref<32x20x500xi32, #tpu.memory_space<hbm>> -> memref<1x20x500xi32, #tpu.memory_space<hbm>>
      %dma_start3A_51 = tpu.memref_squeeze %dma_start3A_50 : memref<1x20x500xi32, #tpu.memory_space<hbm>> -> memref<20x500xi32, #tpu.memory_space<hbm>>
      tpu.enqueue_dma source(%dma_start3A_51 : memref<20x500xi32, #tpu.memory_space<hbm>>) target(%arg7 : memref<20x500xi32, #tpu.memory_space<vmem>>) target_semaphore(%run_scoped3A : memref<!tpu.dma_semaphore, #tpu.memory_space<semaphore_mem>>)
      %dma_wait3A_52 = arith.constant 0 : i32
      %dma_wait3A_53 = arith.constant 0 : i32
      %dma_wait3A_54 = tpu.memref_slice %arg3[%add3A, %dma_wait3A_52, %dma_wait3A_53] : memref<32x20x500xi32, #tpu.memory_space<hbm>> -> memref<1x20x500xi32, #tpu.memory_space<hbm>>
      %dma_wait3A_55 = tpu.memref_squeeze %dma_wait3A_54 : memref<1x20x500xi32, #tpu.memory_space<hbm>> -> memref<20x500xi32, #tpu.memory_space<hbm>>
      %dma_wait3A_56 = arith.constant 0 : i32
      %dma_wait3A_57 = arith.constant 0 : i32
      %dma_wait3A_58 = tpu.memref_slice %arg3[%add3A, %dma_wait3A_56, %dma_wait3A_57] : memref<32x20x500xi32, #tpu.memory_space<hbm>> -> memref<1x20x500xi32, #tpu.memory_space<hbm>>
      %dma_wait3A_59 = tpu.memref_squeeze %dma_wait3A_58 : memref<1x20x500xi32, #tpu.memory_space<hbm>> -> memref<20x500xi32, #tpu.memory_space<hbm>>
      tpu.wait_dma2 semaphore(%run_scoped3A : memref<!tpu.dma_semaphore, #tpu.memory_space<semaphore_mem>>) src(%dma_wait3A_59 : memref<20x500xi32, #tpu.memory_space<hbm>>) dst(%arg7 : memref<20x500xi32, #tpu.memory_space<vmem>>)
      tpu.yield
    }) : () -> ()
    "tpu.region"() ({
      %run_scoped3A = tpu.sem_alloc : memref<!tpu.dma_semaphore, #tpu.memory_space<semaphore_mem>>
      %dma_start3A_44 = arith.constant 0 : i32
      %dma_start3A_45 = arith.constant 0 : i32
      %dma_start3A_46 = tpu.memref_slice %arg4[%add3A, %dma_start3A_44, %dma_start3A_45] : memref<32x80x125xi32, #tpu.memory_space<hbm>> -> memref<1x80x125xi32, #tpu.memory_space<hbm>>
      %dma_start3A_47 = tpu.memref_squeeze %dma_start3A_46 : memref<1x80x125xi32, #tpu.memory_space<hbm>> -> memref<80x125xi32, #tpu.memory_space<hbm>>
      %dma_start3A_48 = arith.constant 0 : i32
      %dma_start3A_49 = arith.constant 0 : i32
      %dma_start3A_50 = tpu.memref_slice %arg4[%add3A, %dma_start3A_48, %dma_start3A_49] : memref<32x80x125xi32, #tpu.memory_space<hbm>> -> memref<1x80x125xi32, #tpu.memory_space<hbm>>
      %dma_start3A_51 = tpu.memref_squeeze %dma_start3A_50 : memref<1x80x125xi32, #tpu.memory_space<hbm>> -> memref<80x125xi32, #tpu.memory_space<hbm>>
      tpu.enqueue_dma source(%dma_start3A_51 : memref<80x125xi32, #tpu.memory_space<hbm>>) target(%arg8 : memref<80x125xi32, #tpu.memory_space<vmem>>) target_semaphore(%run_scoped3A : memref<!tpu.dma_semaphore, #tpu.memory_space<semaphore_mem>>)
      %dma_wait3A_52 = arith.constant 0 : i32
      %dma_wait3A_53 = arith.constant 0 : i32
      %dma_wait3A_54 = tpu.memref_slice %arg4[%add3A, %dma_wait3A_52, %dma_wait3A_53] : memref<32x80x125xi32, #tpu.memory_space<hbm>> -> memref<1x80x125xi32, #tpu.memory_space<hbm>>
      %dma_wait3A_55 = tpu.memref_squeeze %dma_wait3A_54 : memref<1x80x125xi32, #tpu.memory_space<hbm>> -> memref<80x125xi32, #tpu.memory_space<hbm>>
      %dma_wait3A_56 = arith.constant 0 : i32
      %dma_wait3A_57 = arith.constant 0 : i32
      %dma_wait3A_58 = tpu.memref_slice %arg4[%add3A, %dma_wait3A_56, %dma_wait3A_57] : memref<32x80x125xi32, #tpu.memory_space<hbm>> -> memref<1x80x125xi32, #tpu.memory_space<hbm>>
      %dma_wait3A_59 = tpu.memref_squeeze %dma_wait3A_58 : memref<1x80x125xi32, #tpu.memory_space<hbm>> -> memref<80x125xi32, #tpu.memory_space<hbm>>
      tpu.wait_dma2 semaphore(%run_scoped3A : memref<!tpu.dma_semaphore, #tpu.memory_space<semaphore_mem>>) src(%dma_wait3A_59 : memref<80x125xi32, #tpu.memory_space<hbm>>) dst(%arg8 : memref<80x125xi32, #tpu.memory_space<vmem>>)
      tpu.yield
    }) : () -> ()
    %dma_wait3A = arith.constant 0 : i32
    %dma_wait3A_6 = tpu.memref_slice %arg11[%mul3A_2, %dma_wait3A] : memref<10240x64xf32, #tpu.memory_space<vmem_shared>> -> memref<640x64xf32, #tpu.memory_space<vmem_shared>>
    %dma_wait3A_7 = arith.constant 0 : i32
    %dma_wait3A_8 = tpu.memref_slice %arg5[%mul3A_2, %dma_wait3A_7] : memref<10240x64xf32, #tpu.memory_space<hbm>> -> memref<640x64xf32, #tpu.memory_space<hbm>>
    tpu.wait_dma2 semaphore(%arg12 : memref<!tpu.dma_semaphore, #tpu.memory_space<semaphore_mem>>) src(%dma_wait3A_8 : memref<640x64xf32, #tpu.memory_space<hbm>>) dst(%dma_wait3A_6 : memref<640x64xf32, #tpu.memory_space<vmem_shared>>)
    %barrier3A = arith.constant 0 : index
    tpu.barrier barrier_id(%barrier3A)
    %dma_start3A_9 = arith.constant 0 : i32
    %dma_start3A_10 = arith.constant 0 : i32
    %dma_start3A_11 = tpu.memref_slice %arg7[%dma_start3A_9, %dma_start3A_10] : memref<20x500xi32, #tpu.memory_space<vmem>> -> memref<1x500xi32, #tpu.memory_space<vmem>>
    %dma_start3A_12 = tpu.memref_squeeze %dma_start3A_11 : memref<1x500xi32, #tpu.memory_space<vmem>> -> memref<500xi32, #tpu.memory_space<vmem>>
    %dma_start3A_13 = arith.constant 0 : i32
    %dma_start3A_14 = arith.constant 0 : i32
    %dma_start3A_15 = tpu.memref_slice %arg2[%dma_start3A_13, %dma_start3A_14] : memref<10000x64xf32, #tpu.memory_space<hbm>> -> memref<10000x64xf32, #tpu.memory_space<hbm>>
    tpu.enqueue_indirect_dma source(%dma_start3A_15 : memref<10000x64xf32, #tpu.memory_space<hbm>>) target(%arg9 : memref<500x64xf32, #tpu.memory_space<vmem>>) offsets(%dma_start3A_12 : memref<500xi32, #tpu.memory_space<vmem>>) semaphore(%arg12 : memref<!tpu.dma_semaphore, #tpu.memory_space<semaphore_mem>>)
    %dma_start3A_16 = arith.constant 1 : i32
    %dma_start3A_17 = arith.constant 0 : i32
    %dma_start3A_18 = tpu.memref_slice %arg7[%dma_start3A_16, %dma_start3A_17] : memref<20x500xi32, #tpu.memory_space<vmem>> -> memref<1x500xi32, #tpu.memory_space<vmem>>
    %dma_start3A_19 = tpu.memref_squeeze %dma_start3A_18 : memref<1x500xi32, #tpu.memory_space<vmem>> -> memref<500xi32, #tpu.memory_space<vmem>>
    %dma_start3A_20 = arith.constant 0 : i32
    %dma_start3A_21 = arith.constant 0 : i32
    %dma_start3A_22 = tpu.memref_slice %arg2[%dma_start3A_20, %dma_start3A_21] : memref<10000x64xf32, #tpu.memory_space<hbm>> -> memref<10000x64xf32, #tpu.memory_space<hbm>>
    tpu.enqueue_indirect_dma source(%dma_start3A_22 : memref<10000x64xf32, #tpu.memory_space<hbm>>) target(%arg10 : memref<500x64xf32, #tpu.memory_space<vmem>>) offsets(%dma_start3A_19 : memref<500xi32, #tpu.memory_space<vmem>>) semaphore(%arg13 : memref<!tpu.dma_semaphore, #tpu.memory_space<semaphore_mem>>)
    %scan3A = arith.constant 0 : i32
    %scan3A_23 = arith.constant 10 : i32
    %scan3A_24 = arith.addi %scan3A, %scan3A_23 : i32
    %scan3A_25 = arith.constant 1 : i32
    scf.for %scan3A_44 = %scan3A to %scan3A_24 step %scan3A_25  : i32 {
      %mul3A_45 = arith.constant 1 : i32
      %mul3A_46 = arith.muli %scan3A_44, %mul3A_45 : i32
      %add3A_47 = arith.constant 0 : i32
      %add3A_48 = arith.addi %add3A_47, %mul3A_46 : i32
      %mul3A_49 = arith.constant 2 : i32
      %mul3A_50 = arith.muli %mul3A_49, %add3A_48 : i32
      %add3A_51 = arith.constant 1 : i32
      %add3A_52 = arith.addi %mul3A_50, %add3A_51 : i32
      %dma_wait3A_53 = arith.constant 0 : i32
      %dma_wait3A_54 = tpu.memref_slice %arg7[%mul3A_50, %dma_wait3A_53] : memref<20x500xi32, #tpu.memory_space<vmem>> -> memref<1x500xi32, #tpu.memory_space<vmem>>
      %dma_wait3A_55 = tpu.memref_squeeze %dma_wait3A_54 : memref<1x500xi32, #tpu.memory_space<vmem>> -> memref<500xi32, #tpu.memory_space<vmem>>
      %dma_wait3A_56 = arith.constant 0 : i32
      %dma_wait3A_57 = arith.constant 0 : i32
      %dma_wait3A_58 = tpu.memref_slice %arg2[%dma_wait3A_56, %dma_wait3A_57] : memref<10000x64xf32, #tpu.memory_space<hbm>> -> memref<10000x64xf32, #tpu.memory_space<hbm>>
      tpu.wait_indirect_dma semaphore(%arg12 : memref<!tpu.dma_semaphore, #tpu.memory_space<semaphore_mem>>) src(%dma_wait3A_58 : memref<10000x64xf32, #tpu.memory_space<hbm>>) dst(%arg9 : memref<500x64xf32, #tpu.memory_space<vmem>>)
      %mul3A_59 = arith.constant 4 : i32
      %mul3A_60 = arith.muli %mul3A_50, %mul3A_59 : i32
      %add3A_61 = arith.constant 0 : i32
      %add3A_62 = arith.addi %mul3A_60, %add3A_61 : i32
      "tpu.region"() ({
        %run_scoped3A = tpu.sem_alloc : memref<!tpu.dma_semaphore, #tpu.memory_space<semaphore_mem>>
        %dma_start3A_116 = arith.constant 0 : i32
        %dma_start3A_117 = arith.constant 0 : i32
        %dma_start3A_118 = tpu.memref_slice %arg9[%dma_start3A_116, %dma_start3A_117] : memref<500x64xf32, #tpu.memory_space<vmem>> -> memref<125x64xf32, #tpu.memory_space<vmem>>
        %dma_start3A_119 = arith.constant 0 : i32
        %dma_start3A_120 = tpu.memref_slice %arg8[%add3A_62, %dma_start3A_119] : memref<80x125xi32, #tpu.memory_space<vmem>> -> memref<1x125xi32, #tpu.memory_space<vmem>>
        %dma_start3A_121 = tpu.memref_squeeze %dma_start3A_120 : memref<1x125xi32, #tpu.memory_space<vmem>> -> memref<125xi32, #tpu.memory_space<vmem>>
        %dma_start3A_122 = arith.constant 0 : i32
        %dma_start3A_123 = arith.constant 0 : i32
        %dma_start3A_124 = tpu.memref_slice %arg11[%dma_start3A_122, %dma_start3A_123] : memref<10240x64xf32, #tpu.memory_space<vmem_shared>> -> memref<10240x64xf32, #tpu.memory_space<vmem_shared>>
        tpu.enqueue_indirect_dma source(%dma_start3A_118 : memref<125x64xf32, #tpu.memory_space<vmem>>) target(%dma_start3A_124 : memref<10240x64xf32, #tpu.memory_space<vmem_shared>>) offsets(%dma_start3A_121 : memref<125xi32, #tpu.memory_space<vmem>>) semaphore(%run_scoped3A : memref<!tpu.dma_semaphore, #tpu.memory_space<semaphore_mem>>) {add = true}
        %dma_wait3A_125 = arith.constant 0 : i32
        %dma_wait3A_126 = arith.constant 0 : i32
        %dma_wait3A_127 = tpu.memref_slice %arg9[%dma_wait3A_125, %dma_wait3A_126] : memref<500x64xf32, #tpu.memory_space<vmem>> -> memref<125x64xf32, #tpu.memory_space<vmem>>
        %dma_wait3A_128 = arith.constant 0 : i32
        %dma_wait3A_129 = tpu.memref_slice %arg8[%add3A_62, %dma_wait3A_128] : memref<80x125xi32, #tpu.memory_space<vmem>> -> memref<1x125xi32, #tpu.memory_space<vmem>>
        %dma_wait3A_130 = tpu.memref_squeeze %dma_wait3A_129 : memref<1x125xi32, #tpu.memory_space<vmem>> -> memref<125xi32, #tpu.memory_space<vmem>>
        %dma_wait3A_131 = arith.constant 0 : i32
        %dma_wait3A_132 = arith.constant 0 : i32
        %dma_wait3A_133 = tpu.memref_slice %arg11[%dma_wait3A_131, %dma_wait3A_132] : memref<10240x64xf32, #tpu.memory_space<vmem_shared>> -> memref<10240x64xf32, #tpu.memory_space<vmem_shared>>
        tpu.wait_indirect_dma semaphore(%run_scoped3A : memref<!tpu.dma_semaphore, #tpu.memory_space<semaphore_mem>>) src(%dma_wait3A_127 : memref<125x64xf32, #tpu.memory_space<vmem>>) dst(%dma_wait3A_133 : memref<10240x64xf32, #tpu.memory_space<vmem_shared>>)
        tpu.yield
      }) : () -> ()
      %mul3A_63 = arith.constant 4 : i32
      %mul3A_64 = arith.muli %mul3A_50, %mul3A_63 : i32
      %add3A_65 = arith.constant 1 : i32
      %add3A_66 = arith.addi %mul3A_64, %add3A_65 : i32
      "tpu.region"() ({
        %run_scoped3A = tpu.sem_alloc : memref<!tpu.dma_semaphore, #tpu.memory_space<semaphore_mem>>
        %dma_start3A_116 = arith.constant 125 : i32
        %dma_start3A_117 = arith.constant 0 : i32
        %dma_start3A_118 = tpu.memref_slice %arg9[%dma_start3A_116, %dma_start3A_117] : memref<500x64xf32, #tpu.memory_space<vmem>> -> memref<125x64xf32, #tpu.memory_space<vmem>>
        %dma_start3A_119 = arith.constant 0 : i32
        %dma_start3A_120 = tpu.memref_slice %arg8[%add3A_66, %dma_start3A_119] : memref<80x125xi32, #tpu.memory_space<vmem>> -> memref<1x125xi32, #tpu.memory_space<vmem>>
        %dma_start3A_121 = tpu.memref_squeeze %dma_start3A_120 : memref<1x125xi32, #tpu.memory_space<vmem>> -> memref<125xi32, #tpu.memory_space<vmem>>
        %dma_start3A_122 = arith.constant 0 : i32
        %dma_start3A_123 = arith.constant 0 : i32
        %dma_start3A_124 = tpu.memref_slice %arg11[%dma_start3A_122, %dma_start3A_123] : memref<10240x64xf32, #tpu.memory_space<vmem_shared>> -> memref<10240x64xf32, #tpu.memory_space<vmem_shared>>
        tpu.enqueue_indirect_dma source(%dma_start3A_118 : memref<125x64xf32, #tpu.memory_space<vmem>>) target(%dma_start3A_124 : memref<10240x64xf32, #tpu.memory_space<vmem_shared>>) offsets(%dma_start3A_121 : memref<125xi32, #tpu.memory_space<vmem>>) semaphore(%run_scoped3A : memref<!tpu.dma_semaphore, #tpu.memory_space<semaphore_mem>>) {add = true}
        %dma_wait3A_125 = arith.constant 125 : i32
        %dma_wait3A_126 = arith.constant 0 : i32
        %dma_wait3A_127 = tpu.memref_slice %arg9[%dma_wait3A_125, %dma_wait3A_126] : memref<500x64xf32, #tpu.memory_space<vmem>> -> memref<125x64xf32, #tpu.memory_space<vmem>>
        %dma_wait3A_128 = arith.constant 0 : i32
        %dma_wait3A_129 = tpu.memref_slice %arg8[%add3A_66, %dma_wait3A_128] : memref<80x125xi32, #tpu.memory_space<vmem>> -> memref<1x125xi32, #tpu.memory_space<vmem>>
        %dma_wait3A_130 = tpu.memref_squeeze %dma_wait3A_129 : memref<1x125xi32, #tpu.memory_space<vmem>> -> memref<125xi32, #tpu.memory_space<vmem>>
        %dma_wait3A_131 = arith.constant 0 : i32
        %dma_wait3A_132 = arith.constant 0 : i32
        %dma_wait3A_133 = tpu.memref_slice %arg11[%dma_wait3A_131, %dma_wait3A_132] : memref<10240x64xf32, #tpu.memory_space<vmem_shared>> -> memref<10240x64xf32, #tpu.memory_space<vmem_shared>>
        tpu.wait_indirect_dma semaphore(%run_scoped3A : memref<!tpu.dma_semaphore, #tpu.memory_space<semaphore_mem>>) src(%dma_wait3A_127 : memref<125x64xf32, #tpu.memory_space<vmem>>) dst(%dma_wait3A_133 : memref<10240x64xf32, #tpu.memory_space<vmem_shared>>)
        tpu.yield
      }) : () -> ()
      %mul3A_67 = arith.constant 4 : i32
      %mul3A_68 = arith.muli %mul3A_50, %mul3A_67 : i32
      %add3A_69 = arith.constant 2 : i32
      %add3A_70 = arith.addi %mul3A_68, %add3A_69 : i32
      "tpu.region"() ({
        %run_scoped3A = tpu.sem_alloc : memref<!tpu.dma_semaphore, #tpu.memory_space<semaphore_mem>>
        %dma_start3A_116 = arith.constant 250 : i32
        %dma_start3A_117 = arith.constant 0 : i32
        %dma_start3A_118 = tpu.memref_slice %arg9[%dma_start3A_116, %dma_start3A_117] : memref<500x64xf32, #tpu.memory_space<vmem>> -> memref<125x64xf32, #tpu.memory_space<vmem>>
        %dma_start3A_119 = arith.constant 0 : i32
        %dma_start3A_120 = tpu.memref_slice %arg8[%add3A_70, %dma_start3A_119] : memref<80x125xi32, #tpu.memory_space<vmem>> -> memref<1x125xi32, #tpu.memory_space<vmem>>
        %dma_start3A_121 = tpu.memref_squeeze %dma_start3A_120 : memref<1x125xi32, #tpu.memory_space<vmem>> -> memref<125xi32, #tpu.memory_space<vmem>>
        %dma_start3A_122 = arith.constant 0 : i32
        %dma_start3A_123 = arith.constant 0 : i32
        %dma_start3A_124 = tpu.memref_slice %arg11[%dma_start3A_122, %dma_start3A_123] : memref<10240x64xf32, #tpu.memory_space<vmem_shared>> -> memref<10240x64xf32, #tpu.memory_space<vmem_shared>>
        tpu.enqueue_indirect_dma source(%dma_start3A_118 : memref<125x64xf32, #tpu.memory_space<vmem>>) target(%dma_start3A_124 : memref<10240x64xf32, #tpu.memory_space<vmem_shared>>) offsets(%dma_start3A_121 : memref<125xi32, #tpu.memory_space<vmem>>) semaphore(%run_scoped3A : memref<!tpu.dma_semaphore, #tpu.memory_space<semaphore_mem>>) {add = true}
        %dma_wait3A_125 = arith.constant 250 : i32
        %dma_wait3A_126 = arith.constant 0 : i32
        %dma_wait3A_127 = tpu.memref_slice %arg9[%dma_wait3A_125, %dma_wait3A_126] : memref<500x64xf32, #tpu.memory_space<vmem>> -> memref<125x64xf32, #tpu.memory_space<vmem>>
        %dma_wait3A_128 = arith.constant 0 : i32
        %dma_wait3A_129 = tpu.memref_slice %arg8[%add3A_70, %dma_wait3A_128] : memref<80x125xi32, #tpu.memory_space<vmem>> -> memref<1x125xi32, #tpu.memory_space<vmem>>
        %dma_wait3A_130 = tpu.memref_squeeze %dma_wait3A_129 : memref<1x125xi32, #tpu.memory_space<vmem>> -> memref<125xi32, #tpu.memory_space<vmem>>
        %dma_wait3A_131 = arith.constant 0 : i32
        %dma_wait3A_132 = arith.constant 0 : i32
        %dma_wait3A_133 = tpu.memref_slice %arg11[%dma_wait3A_131, %dma_wait3A_132] : memref<10240x64xf32, #tpu.memory_space<vmem_shared>> -> memref<10240x64xf32, #tpu.memory_space<vmem_shared>>
        tpu.wait_indirect_dma semaphore(%run_scoped3A : memref<!tpu.dma_semaphore, #tpu.memory_space<semaphore_mem>>) src(%dma_wait3A_127 : memref<125x64xf32, #tpu.memory_space<vmem>>) dst(%dma_wait3A_133 : memref<10240x64xf32, #tpu.memory_space<vmem_shared>>)
        tpu.yield
      }) : () -> ()
      %mul3A_71 = arith.constant 4 : i32
      %mul3A_72 = arith.muli %mul3A_50, %mul3A_71 : i32
      %add3A_73 = arith.constant 3 : i32
      %add3A_74 = arith.addi %mul3A_72, %add3A_73 : i32
      "tpu.region"() ({
        %run_scoped3A = tpu.sem_alloc : memref<!tpu.dma_semaphore, #tpu.memory_space<semaphore_mem>>
        %dma_start3A_116 = arith.constant 375 : i32
        %dma_start3A_117 = arith.constant 0 : i32
        %dma_start3A_118 = tpu.memref_slice %arg9[%dma_start3A_116, %dma_start3A_117] : memref<500x64xf32, #tpu.memory_space<vmem>> -> memref<125x64xf32, #tpu.memory_space<vmem>>
        %dma_start3A_119 = arith.constant 0 : i32
        %dma_start3A_120 = tpu.memref_slice %arg8[%add3A_74, %dma_start3A_119] : memref<80x125xi32, #tpu.memory_space<vmem>> -> memref<1x125xi32, #tpu.memory_space<vmem>>
        %dma_start3A_121 = tpu.memref_squeeze %dma_start3A_120 : memref<1x125xi32, #tpu.memory_space<vmem>> -> memref<125xi32, #tpu.memory_space<vmem>>
        %dma_start3A_122 = arith.constant 0 : i32
        %dma_start3A_123 = arith.constant 0 : i32
        %dma_start3A_124 = tpu.memref_slice %arg11[%dma_start3A_122, %dma_start3A_123] : memref<10240x64xf32, #tpu.memory_space<vmem_shared>> -> memref<10240x64xf32, #tpu.memory_space<vmem_shared>>
        tpu.enqueue_indirect_dma source(%dma_start3A_118 : memref<125x64xf32, #tpu.memory_space<vmem>>) target(%dma_start3A_124 : memref<10240x64xf32, #tpu.memory_space<vmem_shared>>) offsets(%dma_start3A_121 : memref<125xi32, #tpu.memory_space<vmem>>) semaphore(%run_scoped3A : memref<!tpu.dma_semaphore, #tpu.memory_space<semaphore_mem>>) {add = true}
        %dma_wait3A_125 = arith.constant 375 : i32
        %dma_wait3A_126 = arith.constant 0 : i32
        %dma_wait3A_127 = tpu.memref_slice %arg9[%dma_wait3A_125, %dma_wait3A_126] : memref<500x64xf32, #tpu.memory_space<vmem>> -> memref<125x64xf32, #tpu.memory_space<vmem>>
        %dma_wait3A_128 = arith.constant 0 : i32
        %dma_wait3A_129 = tpu.memref_slice %arg8[%add3A_74, %dma_wait3A_128] : memref<80x125xi32, #tpu.memory_space<vmem>> -> memref<1x125xi32, #tpu.memory_space<vmem>>
        %dma_wait3A_130 = tpu.memref_squeeze %dma_wait3A_129 : memref<1x125xi32, #tpu.memory_space<vmem>> -> memref<125xi32, #tpu.memory_space<vmem>>
        %dma_wait3A_131 = arith.constant 0 : i32
        %dma_wait3A_132 = arith.constant 0 : i32
        %dma_wait3A_133 = tpu.memref_slice %arg11[%dma_wait3A_131, %dma_wait3A_132] : memref<10240x64xf32, #tpu.memory_space<vmem_shared>> -> memref<10240x64xf32, #tpu.memory_space<vmem_shared>>
        tpu.wait_indirect_dma semaphore(%run_scoped3A : memref<!tpu.dma_semaphore, #tpu.memory_space<semaphore_mem>>) src(%dma_wait3A_127 : memref<125x64xf32, #tpu.memory_space<vmem>>) dst(%dma_wait3A_133 : memref<10240x64xf32, #tpu.memory_space<vmem_shared>>)
        tpu.yield
      }) : () -> ()
      %add3A_75 = arith.constant 2 : i32
      %add3A_76 = arith.addi %mul3A_50, %add3A_75 : i32
      %rem3A = arith.constant 20 : i32
      %rem3A_77 = arith.remsi %add3A_76, %rem3A : i32
      %dma_start3A_78 = arith.constant 0 : i32
      %dma_start3A_79 = tpu.memref_slice %arg7[%rem3A_77, %dma_start3A_78] : memref<20x500xi32, #tpu.memory_space<vmem>> -> memref<1x500xi32, #tpu.memory_space<vmem>>
      %dma_start3A_80 = tpu.memref_squeeze %dma_start3A_79 : memref<1x500xi32, #tpu.memory_space<vmem>> -> memref<500xi32, #tpu.memory_space<vmem>>
      %dma_start3A_81 = arith.constant 0 : i32
      %dma_start3A_82 = arith.constant 0 : i32
      %dma_start3A_83 = tpu.memref_slice %arg2[%dma_start3A_81, %dma_start3A_82] : memref<10000x64xf32, #tpu.memory_space<hbm>> -> memref<10000x64xf32, #tpu.memory_space<hbm>>
      tpu.enqueue_indirect_dma source(%dma_start3A_83 : memref<10000x64xf32, #tpu.memory_space<hbm>>) target(%arg9 : memref<500x64xf32, #tpu.memory_space<vmem>>) offsets(%dma_start3A_80 : memref<500xi32, #tpu.memory_space<vmem>>) semaphore(%arg12 : memref<!tpu.dma_semaphore, #tpu.memory_space<semaphore_mem>>)
      %dma_wait3A_84 = arith.constant 0 : i32
      %dma_wait3A_85 = tpu.memref_slice %arg7[%add3A_52, %dma_wait3A_84] : memref<20x500xi32, #tpu.memory_space<vmem>> -> memref<1x500xi32, #tpu.memory_space<vmem>>
      %dma_wait3A_86 = tpu.memref_squeeze %dma_wait3A_85 : memref<1x500xi32, #tpu.memory_space<vmem>> -> memref<500xi32, #tpu.memory_space<vmem>>
      %dma_wait3A_87 = arith.constant 0 : i32
      %dma_wait3A_88 = arith.constant 0 : i32
      %dma_wait3A_89 = tpu.memref_slice %arg2[%dma_wait3A_87, %dma_wait3A_88] : memref<10000x64xf32, #tpu.memory_space<hbm>> -> memref<10000x64xf32, #tpu.memory_space<hbm>>
      tpu.wait_indirect_dma semaphore(%arg13 : memref<!tpu.dma_semaphore, #tpu.memory_space<semaphore_mem>>) src(%dma_wait3A_89 : memref<10000x64xf32, #tpu.memory_space<hbm>>) dst(%arg10 : memref<500x64xf32, #tpu.memory_space<vmem>>)
      %mul3A_90 = arith.constant 4 : i32
      %mul3A_91 = arith.muli %add3A_52, %mul3A_90 : i32
      %add3A_92 = arith.constant 0 : i32
      %add3A_93 = arith.addi %mul3A_91, %add3A_92 : i32
      "tpu.region"() ({
        %run_scoped3A = tpu.sem_alloc : memref<!tpu.dma_semaphore, #tpu.memory_space<semaphore_mem>>
        %dma_start3A_116 = arith.constant 0 : i32
        %dma_start3A_117 = arith.constant 0 : i32
        %dma_start3A_118 = tpu.memref_slice %arg10[%dma_start3A_116, %dma_start3A_117] : memref<500x64xf32, #tpu.memory_space<vmem>> -> memref<125x64xf32, #tpu.memory_space<vmem>>
        %dma_start3A_119 = arith.constant 0 : i32
        %dma_start3A_120 = tpu.memref_slice %arg8[%add3A_93, %dma_start3A_119] : memref<80x125xi32, #tpu.memory_space<vmem>> -> memref<1x125xi32, #tpu.memory_space<vmem>>
        %dma_start3A_121 = tpu.memref_squeeze %dma_start3A_120 : memref<1x125xi32, #tpu.memory_space<vmem>> -> memref<125xi32, #tpu.memory_space<vmem>>
        %dma_start3A_122 = arith.constant 0 : i32
        %dma_start3A_123 = arith.constant 0 : i32
        %dma_start3A_124 = tpu.memref_slice %arg11[%dma_start3A_122, %dma_start3A_123] : memref<10240x64xf32, #tpu.memory_space<vmem_shared>> -> memref<10240x64xf32, #tpu.memory_space<vmem_shared>>
        tpu.enqueue_indirect_dma source(%dma_start3A_118 : memref<125x64xf32, #tpu.memory_space<vmem>>) target(%dma_start3A_124 : memref<10240x64xf32, #tpu.memory_space<vmem_shared>>) offsets(%dma_start3A_121 : memref<125xi32, #tpu.memory_space<vmem>>) semaphore(%run_scoped3A : memref<!tpu.dma_semaphore, #tpu.memory_space<semaphore_mem>>) {add = true}
        %dma_wait3A_125 = arith.constant 0 : i32
        %dma_wait3A_126 = arith.constant 0 : i32
        %dma_wait3A_127 = tpu.memref_slice %arg10[%dma_wait3A_125, %dma_wait3A_126] : memref<500x64xf32, #tpu.memory_space<vmem>> -> memref<125x64xf32, #tpu.memory_space<vmem>>
        %dma_wait3A_128 = arith.constant 0 : i32
        %dma_wait3A_129 = tpu.memref_slice %arg8[%add3A_93, %dma_wait3A_128] : memref<80x125xi32, #tpu.memory_space<vmem>> -> memref<1x125xi32, #tpu.memory_space<vmem>>
        %dma_wait3A_130 = tpu.memref_squeeze %dma_wait3A_129 : memref<1x125xi32, #tpu.memory_space<vmem>> -> memref<125xi32, #tpu.memory_space<vmem>>
        %dma_wait3A_131 = arith.constant 0 : i32
        %dma_wait3A_132 = arith.constant 0 : i32
        %dma_wait3A_133 = tpu.memref_slice %arg11[%dma_wait3A_131, %dma_wait3A_132] : memref<10240x64xf32, #tpu.memory_space<vmem_shared>> -> memref<10240x64xf32, #tpu.memory_space<vmem_shared>>
        tpu.wait_indirect_dma semaphore(%run_scoped3A : memref<!tpu.dma_semaphore, #tpu.memory_space<semaphore_mem>>) src(%dma_wait3A_127 : memref<125x64xf32, #tpu.memory_space<vmem>>) dst(%dma_wait3A_133 : memref<10240x64xf32, #tpu.memory_space<vmem_shared>>)
        tpu.yield
      }) : () -> ()
      %mul3A_94 = arith.constant 4 : i32
      %mul3A_95 = arith.muli %add3A_52, %mul3A_94 : i32
      %add3A_96 = arith.constant 1 : i32
      %add3A_97 = arith.addi %mul3A_95, %add3A_96 : i32
      "tpu.region"() ({
        %run_scoped3A = tpu.sem_alloc : memref<!tpu.dma_semaphore, #tpu.memory_space<semaphore_mem>>
        %dma_start3A_116 = arith.constant 125 : i32
        %dma_start3A_117 = arith.constant 0 : i32
        %dma_start3A_118 = tpu.memref_slice %arg10[%dma_start3A_116, %dma_start3A_117] : memref<500x64xf32, #tpu.memory_space<vmem>> -> memref<125x64xf32, #tpu.memory_space<vmem>>
        %dma_start3A_119 = arith.constant 0 : i32
        %dma_start3A_120 = tpu.memref_slice %arg8[%add3A_97, %dma_start3A_119] : memref<80x125xi32, #tpu.memory_space<vmem>> -> memref<1x125xi32, #tpu.memory_space<vmem>>
        %dma_start3A_121 = tpu.memref_squeeze %dma_start3A_120 : memref<1x125xi32, #tpu.memory_space<vmem>> -> memref<125xi32, #tpu.memory_space<vmem>>
        %dma_start3A_122 = arith.constant 0 : i32
        %dma_start3A_123 = arith.constant 0 : i32
        %dma_start3A_124 = tpu.memref_slice %arg11[%dma_start3A_122, %dma_start3A_123] : memref<10240x64xf32, #tpu.memory_space<vmem_shared>> -> memref<10240x64xf32, #tpu.memory_space<vmem_shared>>
        tpu.enqueue_indirect_dma source(%dma_start3A_118 : memref<125x64xf32, #tpu.memory_space<vmem>>) target(%dma_start3A_124 : memref<10240x64xf32, #tpu.memory_space<vmem_shared>>) offsets(%dma_start3A_121 : memref<125xi32, #tpu.memory_space<vmem>>) semaphore(%run_scoped3A : memref<!tpu.dma_semaphore, #tpu.memory_space<semaphore_mem>>) {add = true}
        %dma_wait3A_125 = arith.constant 125 : i32
        %dma_wait3A_126 = arith.constant 0 : i32
        %dma_wait3A_127 = tpu.memref_slice %arg10[%dma_wait3A_125, %dma_wait3A_126] : memref<500x64xf32, #tpu.memory_space<vmem>> -> memref<125x64xf32, #tpu.memory_space<vmem>>
        %dma_wait3A_128 = arith.constant 0 : i32
        %dma_wait3A_129 = tpu.memref_slice %arg8[%add3A_97, %dma_wait3A_128] : memref<80x125xi32, #tpu.memory_space<vmem>> -> memref<1x125xi32, #tpu.memory_space<vmem>>
        %dma_wait3A_130 = tpu.memref_squeeze %dma_wait3A_129 : memref<1x125xi32, #tpu.memory_space<vmem>> -> memref<125xi32, #tpu.memory_space<vmem>>
        %dma_wait3A_131 = arith.constant 0 : i32
        %dma_wait3A_132 = arith.constant 0 : i32
        %dma_wait3A_133 = tpu.memref_slice %arg11[%dma_wait3A_131, %dma_wait3A_132] : memref<10240x64xf32, #tpu.memory_space<vmem_shared>> -> memref<10240x64xf32, #tpu.memory_space<vmem_shared>>
        tpu.wait_indirect_dma semaphore(%run_scoped3A : memref<!tpu.dma_semaphore, #tpu.memory_space<semaphore_mem>>) src(%dma_wait3A_127 : memref<125x64xf32, #tpu.memory_space<vmem>>) dst(%dma_wait3A_133 : memref<10240x64xf32, #tpu.memory_space<vmem_shared>>)
        tpu.yield
      }) : () -> ()
      %mul3A_98 = arith.constant 4 : i32
      %mul3A_99 = arith.muli %add3A_52, %mul3A_98 : i32
      %add3A_100 = arith.constant 2 : i32
      %add3A_101 = arith.addi %mul3A_99, %add3A_100 : i32
      "tpu.region"() ({
        %run_scoped3A = tpu.sem_alloc : memref<!tpu.dma_semaphore, #tpu.memory_space<semaphore_mem>>
        %dma_start3A_116 = arith.constant 250 : i32
        %dma_start3A_117 = arith.constant 0 : i32
        %dma_start3A_118 = tpu.memref_slice %arg10[%dma_start3A_116, %dma_start3A_117] : memref<500x64xf32, #tpu.memory_space<vmem>> -> memref<125x64xf32, #tpu.memory_space<vmem>>
        %dma_start3A_119 = arith.constant 0 : i32
        %dma_start3A_120 = tpu.memref_slice %arg8[%add3A_101, %dma_start3A_119] : memref<80x125xi32, #tpu.memory_space<vmem>> -> memref<1x125xi32, #tpu.memory_space<vmem>>
        %dma_start3A_121 = tpu.memref_squeeze %dma_start3A_120 : memref<1x125xi32, #tpu.memory_space<vmem>> -> memref<125xi32, #tpu.memory_space<vmem>>
        %dma_start3A_122 = arith.constant 0 : i32
        %dma_start3A_123 = arith.constant 0 : i32
        %dma_start3A_124 = tpu.memref_slice %arg11[%dma_start3A_122, %dma_start3A_123] : memref<10240x64xf32, #tpu.memory_space<vmem_shared>> -> memref<10240x64xf32, #tpu.memory_space<vmem_shared>>
        tpu.enqueue_indirect_dma source(%dma_start3A_118 : memref<125x64xf32, #tpu.memory_space<vmem>>) target(%dma_start3A_124 : memref<10240x64xf32, #tpu.memory_space<vmem_shared>>) offsets(%dma_start3A_121 : memref<125xi32, #tpu.memory_space<vmem>>) semaphore(%run_scoped3A : memref<!tpu.dma_semaphore, #tpu.memory_space<semaphore_mem>>) {add = true}
        %dma_wait3A_125 = arith.constant 250 : i32
        %dma_wait3A_126 = arith.constant 0 : i32
        %dma_wait3A_127 = tpu.memref_slice %arg10[%dma_wait3A_125, %dma_wait3A_126] : memref<500x64xf32, #tpu.memory_space<vmem>> -> memref<125x64xf32, #tpu.memory_space<vmem>>
        %dma_wait3A_128 = arith.constant 0 : i32
        %dma_wait3A_129 = tpu.memref_slice %arg8[%add3A_101, %dma_wait3A_128] : memref<80x125xi32, #tpu.memory_space<vmem>> -> memref<1x125xi32, #tpu.memory_space<vmem>>
        %dma_wait3A_130 = tpu.memref_squeeze %dma_wait3A_129 : memref<1x125xi32, #tpu.memory_space<vmem>> -> memref<125xi32, #tpu.memory_space<vmem>>
        %dma_wait3A_131 = arith.constant 0 : i32
        %dma_wait3A_132 = arith.constant 0 : i32
        %dma_wait3A_133 = tpu.memref_slice %arg11[%dma_wait3A_131, %dma_wait3A_132] : memref<10240x64xf32, #tpu.memory_space<vmem_shared>> -> memref<10240x64xf32, #tpu.memory_space<vmem_shared>>
        tpu.wait_indirect_dma semaphore(%run_scoped3A : memref<!tpu.dma_semaphore, #tpu.memory_space<semaphore_mem>>) src(%dma_wait3A_127 : memref<125x64xf32, #tpu.memory_space<vmem>>) dst(%dma_wait3A_133 : memref<10240x64xf32, #tpu.memory_space<vmem_shared>>)
        tpu.yield
      }) : () -> ()
      %mul3A_102 = arith.constant 4 : i32
      %mul3A_103 = arith.muli %add3A_52, %mul3A_102 : i32
      %add3A_104 = arith.constant 3 : i32
      %add3A_105 = arith.addi %mul3A_103, %add3A_104 : i32
      "tpu.region"() ({
        %run_scoped3A = tpu.sem_alloc : memref<!tpu.dma_semaphore, #tpu.memory_space<semaphore_mem>>
        %dma_start3A_116 = arith.constant 375 : i32
        %dma_start3A_117 = arith.constant 0 : i32
        %dma_start3A_118 = tpu.memref_slice %arg10[%dma_start3A_116, %dma_start3A_117] : memref<500x64xf32, #tpu.memory_space<vmem>> -> memref<125x64xf32, #tpu.memory_space<vmem>>
        %dma_start3A_119 = arith.constant 0 : i32
        %dma_start3A_120 = tpu.memref_slice %arg8[%add3A_105, %dma_start3A_119] : memref<80x125xi32, #tpu.memory_space<vmem>> -> memref<1x125xi32, #tpu.memory_space<vmem>>
        %dma_start3A_121 = tpu.memref_squeeze %dma_start3A_120 : memref<1x125xi32, #tpu.memory_space<vmem>> -> memref<125xi32, #tpu.memory_space<vmem>>
        %dma_start3A_122 = arith.constant 0 : i32
        %dma_start3A_123 = arith.constant 0 : i32
        %dma_start3A_124 = tpu.memref_slice %arg11[%dma_start3A_122, %dma_start3A_123] : memref<10240x64xf32, #tpu.memory_space<vmem_shared>> -> memref<10240x64xf32, #tpu.memory_space<vmem_shared>>
        tpu.enqueue_indirect_dma source(%dma_start3A_118 : memref<125x64xf32, #tpu.memory_space<vmem>>) target(%dma_start3A_124 : memref<10240x64xf32, #tpu.memory_space<vmem_shared>>) offsets(%dma_start3A_121 : memref<125xi32, #tpu.memory_space<vmem>>) semaphore(%run_scoped3A : memref<!tpu.dma_semaphore, #tpu.memory_space<semaphore_mem>>) {add = true}
        %dma_wait3A_125 = arith.constant 375 : i32
        %dma_wait3A_126 = arith.constant 0 : i32
        %dma_wait3A_127 = tpu.memref_slice %arg10[%dma_wait3A_125, %dma_wait3A_126] : memref<500x64xf32, #tpu.memory_space<vmem>> -> memref<125x64xf32, #tpu.memory_space<vmem>>
        %dma_wait3A_128 = arith.constant 0 : i32
        %dma_wait3A_129 = tpu.memref_slice %arg8[%add3A_105, %dma_wait3A_128] : memref<80x125xi32, #tpu.memory_space<vmem>> -> memref<1x125xi32, #tpu.memory_space<vmem>>
        %dma_wait3A_130 = tpu.memref_squeeze %dma_wait3A_129 : memref<1x125xi32, #tpu.memory_space<vmem>> -> memref<125xi32, #tpu.memory_space<vmem>>
        %dma_wait3A_131 = arith.constant 0 : i32
        %dma_wait3A_132 = arith.constant 0 : i32
        %dma_wait3A_133 = tpu.memref_slice %arg11[%dma_wait3A_131, %dma_wait3A_132] : memref<10240x64xf32, #tpu.memory_space<vmem_shared>> -> memref<10240x64xf32, #tpu.memory_space<vmem_shared>>
        tpu.wait_indirect_dma semaphore(%run_scoped3A : memref<!tpu.dma_semaphore, #tpu.memory_space<semaphore_mem>>) src(%dma_wait3A_127 : memref<125x64xf32, #tpu.memory_space<vmem>>) dst(%dma_wait3A_133 : memref<10240x64xf32, #tpu.memory_space<vmem_shared>>)
        tpu.yield
      }) : () -> ()
      %add3A_106 = arith.constant 2 : i32
      %add3A_107 = arith.addi %add3A_52, %add3A_106 : i32
      %rem3A_108 = arith.constant 20 : i32
      %rem3A_109 = arith.remsi %add3A_107, %rem3A_108 : i32
      %dma_start3A_110 = arith.constant 0 : i32
      %dma_start3A_111 = tpu.memref_slice %arg7[%rem3A_109, %dma_start3A_110] : memref<20x500xi32, #tpu.memory_space<vmem>> -> memref<1x500xi32, #tpu.memory_space<vmem>>
      %dma_start3A_112 = tpu.memref_squeeze %dma_start3A_111 : memref<1x500xi32, #tpu.memory_space<vmem>> -> memref<500xi32, #tpu.memory_space<vmem>>
      %dma_start3A_113 = arith.constant 0 : i32
      %dma_start3A_114 = arith.constant 0 : i32
      %dma_start3A_115 = tpu.memref_slice %arg2[%dma_start3A_113, %dma_start3A_114] : memref<10000x64xf32, #tpu.memory_space<hbm>> -> memref<10000x64xf32, #tpu.memory_space<hbm>>
      tpu.enqueue_indirect_dma source(%dma_start3A_115 : memref<10000x64xf32, #tpu.memory_space<hbm>>) target(%arg10 : memref<500x64xf32, #tpu.memory_space<vmem>>) offsets(%dma_start3A_112 : memref<500xi32, #tpu.memory_space<vmem>>) semaphore(%arg13 : memref<!tpu.dma_semaphore, #tpu.memory_space<semaphore_mem>>)
    }
    %scan3A_26 = arith.constant 10 : i32
    %dma_wait3A_27 = arith.constant 0 : i32
    %dma_wait3A_28 = arith.constant 0 : i32
    %dma_wait3A_29 = tpu.memref_slice %arg7[%dma_wait3A_27, %dma_wait3A_28] : memref<20x500xi32, #tpu.memory_space<vmem>> -> memref<1x500xi32, #tpu.memory_space<vmem>>
    %dma_wait3A_30 = tpu.memref_squeeze %dma_wait3A_29 : memref<1x500xi32, #tpu.memory_space<vmem>> -> memref<500xi32, #tpu.memory_space<vmem>>
    %dma_wait3A_31 = arith.constant 0 : i32
    %dma_wait3A_32 = arith.constant 0 : i32
    %dma_wait3A_33 = tpu.memref_slice %arg2[%dma_wait3A_31, %dma_wait3A_32] : memref<10000x64xf32, #tpu.memory_space<hbm>> -> memref<10000x64xf32, #tpu.memory_space<hbm>>
    tpu.wait_indirect_dma semaphore(%arg12 : memref<!tpu.dma_semaphore, #tpu.memory_space<semaphore_mem>>) src(%dma_wait3A_33 : memref<10000x64xf32, #tpu.memory_space<hbm>>) dst(%arg9 : memref<500x64xf32, #tpu.memory_space<vmem>>)
    %dma_wait3A_34 = arith.constant 1 : i32
    %dma_wait3A_35 = arith.constant 0 : i32
    %dma_wait3A_36 = tpu.memref_slice %arg7[%dma_wait3A_34, %dma_wait3A_35] : memref<20x500xi32, #tpu.memory_space<vmem>> -> memref<1x500xi32, #tpu.memory_space<vmem>>
    %dma_wait3A_37 = tpu.memref_squeeze %dma_wait3A_36 : memref<1x500xi32, #tpu.memory_space<vmem>> -> memref<500xi32, #tpu.memory_space<vmem>>
    %dma_wait3A_38 = arith.constant 0 : i32
    %dma_wait3A_39 = arith.constant 0 : i32
    %dma_wait3A_40 = tpu.memref_slice %arg2[%dma_wait3A_38, %dma_wait3A_39] : memref<10000x64xf32, #tpu.memory_space<hbm>> -> memref<10000x64xf32, #tpu.memory_space<hbm>>
    tpu.wait_indirect_dma semaphore(%arg13 : memref<!tpu.dma_semaphore, #tpu.memory_space<semaphore_mem>>) src(%dma_wait3A_40 : memref<10000x64xf32, #tpu.memory_space<hbm>>) dst(%arg10 : memref<500x64xf32, #tpu.memory_space<vmem>>)
    %barrier3A_41 = arith.constant 0 : index
    tpu.barrier barrier_id(%barrier3A_41)
    %mul3A_42 = arith.constant 64 : i32
    %mul3A_43 = arith.muli %arg0, %mul3A_42 : i32
    "tpu.region"() ({
      %run_scoped3A = tpu.sem_alloc : memref<!tpu.dma_semaphore, #tpu.memory_space<semaphore_mem>>
      %dma_start3A_44 = tpu.memref_slice %arg6[%mul3A_2, %mul3A_43] : memref<10240x128xf32, #tpu.memory_space<hbm>> -> memref<640x64xf32, #tpu.memory_space<hbm>>
      %dma_start3A_45 = arith.constant 0 : i32
      %dma_start3A_46 = tpu.memref_slice %arg11[%mul3A_2, %dma_start3A_45] : memref<10240x64xf32, #tpu.memory_space<vmem_shared>> -> memref<640x64xf32, #tpu.memory_space<vmem_shared>>
      tpu.enqueue_dma source(%dma_start3A_46 : memref<640x64xf32, #tpu.memory_space<vmem_shared>>) target(%dma_start3A_44 : memref<640x64xf32, #tpu.memory_space<hbm>>) target_semaphore(%run_scoped3A : memref<!tpu.dma_semaphore, #tpu.memory_space<semaphore_mem>>)
      %dma_wait3A_47 = tpu.memref_slice %arg6[%mul3A_2, %mul3A_43] : memref<10240x128xf32, #tpu.memory_space<hbm>> -> memref<640x64xf32, #tpu.memory_space<hbm>>
      %dma_wait3A_48 = arith.constant 0 : i32
      %dma_wait3A_49 = tpu.memref_slice %arg11[%mul3A_2, %dma_wait3A_48] : memref<10240x64xf32, #tpu.memory_space<vmem_shared>> -> memref<640x64xf32, #tpu.memory_space<vmem_shared>>
      tpu.wait_dma2 semaphore(%run_scoped3A : memref<!tpu.dma_semaphore, #tpu.memory_space<semaphore_mem>>) src(%dma_wait3A_49 : memref<640x64xf32, #tpu.memory_space<vmem_shared>>) dst(%dma_wait3A_47 : memref<640x64xf32, #tpu.memory_space<hbm>>)
      tpu.yield
    }) : () -> ()
    return
  }
}

#map = affine_map<(d0, d1) -> (0, 0, 0)>
#map1 = affine_map<(d0, d1) -> (0, 0)>
module attributes {stable_mosaic.version = 14 : i64} {
  func.func @_deg_sc(%arg0: i32, %arg1: i32, %arg2: memref<32x80x125xi32, #tpu.memory_space<hbm>>, %arg3: memref<10240x16xf32, #tpu.memory_space<hbm>>, %arg4: memref<125x16xf32, #tpu.memory_space<hbm>>, %arg5: memref<10240x128xf32, #tpu.memory_space<hbm>>, %arg6: memref<80x125xi32, #tpu.memory_space<vmem>>, %arg7: memref<125x16xf32, #tpu.memory_space<vmem>>, %arg8: memref<10240x16xf32, #tpu.memory_space<vmem_shared>>, %arg9: memref<!tpu.dma_semaphore, #tpu.memory_space<semaphore_mem>>) attributes {dimension_semantics = [#tpu.dimension_semantics<core_parallel>, #tpu.dimension_semantics<subcore_parallel>], iteration_bounds = array<i64: 2, 16>, scalar_prefetch = 0 : i64, scratch_operands = 4 : i64, tpu.core_type = #tpu.core_type<sc_vector_subcore>, window_params = [{transform_indices = #map}, {transform_indices = #map1}, {transform_indices = #map1}, {transform_indices = #map1}]} {
    %mul3A = arith.constant 16 : i32
    %mul3A_0 = arith.muli %arg0, %mul3A : i32
    %add3A = arith.addi %mul3A_0, %arg1 : i32
    %mul3A_1 = arith.constant 640 : i32
    %mul3A_2 = arith.muli %arg1, %mul3A_1 : i32
    %dma_start3A = arith.constant 0 : i32
    %dma_start3A_3 = tpu.memref_slice %arg8[%mul3A_2, %dma_start3A] : memref<10240x16xf32, #tpu.memory_space<vmem_shared>> -> memref<640x16xf32, #tpu.memory_space<vmem_shared>>
    %dma_start3A_4 = arith.constant 0 : i32
    %dma_start3A_5 = tpu.memref_slice %arg3[%mul3A_2, %dma_start3A_4] : memref<10240x16xf32, #tpu.memory_space<hbm>> -> memref<640x16xf32, #tpu.memory_space<hbm>>
    tpu.enqueue_dma source(%dma_start3A_5 : memref<640x16xf32, #tpu.memory_space<hbm>>) target(%dma_start3A_3 : memref<640x16xf32, #tpu.memory_space<vmem_shared>>) target_semaphore(%arg9 : memref<!tpu.dma_semaphore, #tpu.memory_space<semaphore_mem>>)
    "tpu.region"() ({
      %run_scoped3A = tpu.sem_alloc : memref<!tpu.dma_semaphore, #tpu.memory_space<semaphore_mem>>
      tpu.enqueue_dma source(%arg4 : memref<125x16xf32, #tpu.memory_space<hbm>>) target(%arg7 : memref<125x16xf32, #tpu.memory_space<vmem>>) target_semaphore(%run_scoped3A : memref<!tpu.dma_semaphore, #tpu.memory_space<semaphore_mem>>)
      tpu.wait_dma2 semaphore(%run_scoped3A : memref<!tpu.dma_semaphore, #tpu.memory_space<semaphore_mem>>) src(%arg4 : memref<125x16xf32, #tpu.memory_space<hbm>>) dst(%arg7 : memref<125x16xf32, #tpu.memory_space<vmem>>)
      tpu.yield
    }) : () -> ()
    "tpu.region"() ({
      %run_scoped3A = tpu.sem_alloc : memref<!tpu.dma_semaphore, #tpu.memory_space<semaphore_mem>>
      %dma_start3A_16 = arith.constant 0 : i32
      %dma_start3A_17 = arith.constant 0 : i32
      %dma_start3A_18 = tpu.memref_slice %arg2[%add3A, %dma_start3A_16, %dma_start3A_17] : memref<32x80x125xi32, #tpu.memory_space<hbm>> -> memref<1x80x125xi32, #tpu.memory_space<hbm>>
      %dma_start3A_19 = tpu.memref_squeeze %dma_start3A_18 : memref<1x80x125xi32, #tpu.memory_space<hbm>> -> memref<80x125xi32, #tpu.memory_space<hbm>>
      %dma_start3A_20 = arith.constant 0 : i32
      %dma_start3A_21 = arith.constant 0 : i32
      %dma_start3A_22 = tpu.memref_slice %arg2[%add3A, %dma_start3A_20, %dma_start3A_21] : memref<32x80x125xi32, #tpu.memory_space<hbm>> -> memref<1x80x125xi32, #tpu.memory_space<hbm>>
      %dma_start3A_23 = tpu.memref_squeeze %dma_start3A_22 : memref<1x80x125xi32, #tpu.memory_space<hbm>> -> memref<80x125xi32, #tpu.memory_space<hbm>>
      tpu.enqueue_dma source(%dma_start3A_23 : memref<80x125xi32, #tpu.memory_space<hbm>>) target(%arg6 : memref<80x125xi32, #tpu.memory_space<vmem>>) target_semaphore(%run_scoped3A : memref<!tpu.dma_semaphore, #tpu.memory_space<semaphore_mem>>)
      %dma_wait3A_24 = arith.constant 0 : i32
      %dma_wait3A_25 = arith.constant 0 : i32
      %dma_wait3A_26 = tpu.memref_slice %arg2[%add3A, %dma_wait3A_24, %dma_wait3A_25] : memref<32x80x125xi32, #tpu.memory_space<hbm>> -> memref<1x80x125xi32, #tpu.memory_space<hbm>>
      %dma_wait3A_27 = tpu.memref_squeeze %dma_wait3A_26 : memref<1x80x125xi32, #tpu.memory_space<hbm>> -> memref<80x125xi32, #tpu.memory_space<hbm>>
      %dma_wait3A_28 = arith.constant 0 : i32
      %dma_wait3A_29 = arith.constant 0 : i32
      %dma_wait3A_30 = tpu.memref_slice %arg2[%add3A, %dma_wait3A_28, %dma_wait3A_29] : memref<32x80x125xi32, #tpu.memory_space<hbm>> -> memref<1x80x125xi32, #tpu.memory_space<hbm>>
      %dma_wait3A_31 = tpu.memref_squeeze %dma_wait3A_30 : memref<1x80x125xi32, #tpu.memory_space<hbm>> -> memref<80x125xi32, #tpu.memory_space<hbm>>
      tpu.wait_dma2 semaphore(%run_scoped3A : memref<!tpu.dma_semaphore, #tpu.memory_space<semaphore_mem>>) src(%dma_wait3A_31 : memref<80x125xi32, #tpu.memory_space<hbm>>) dst(%arg6 : memref<80x125xi32, #tpu.memory_space<vmem>>)
      tpu.yield
    }) : () -> ()
    %dma_wait3A = arith.constant 0 : i32
    %dma_wait3A_6 = tpu.memref_slice %arg8[%mul3A_2, %dma_wait3A] : memref<10240x16xf32, #tpu.memory_space<vmem_shared>> -> memref<640x16xf32, #tpu.memory_space<vmem_shared>>
    %dma_wait3A_7 = arith.constant 0 : i32
    %dma_wait3A_8 = tpu.memref_slice %arg3[%mul3A_2, %dma_wait3A_7] : memref<10240x16xf32, #tpu.memory_space<hbm>> -> memref<640x16xf32, #tpu.memory_space<hbm>>
    tpu.wait_dma2 semaphore(%arg9 : memref<!tpu.dma_semaphore, #tpu.memory_space<semaphore_mem>>) src(%dma_wait3A_8 : memref<640x16xf32, #tpu.memory_space<hbm>>) dst(%dma_wait3A_6 : memref<640x16xf32, #tpu.memory_space<vmem_shared>>)
    %barrier3A = arith.constant 0 : index
    tpu.barrier barrier_id(%barrier3A)
    %scan3A = arith.constant 0 : i32
    %scan3A_9 = arith.constant 80 : i32
    %scan3A_10 = arith.addi %scan3A, %scan3A_9 : i32
    %scan3A_11 = arith.constant 1 : i32
    scf.for %scan3A_16 = %scan3A to %scan3A_10 step %scan3A_11  : i32 {
      %mul3A_17 = arith.constant 1 : i32
      %mul3A_18 = arith.muli %scan3A_16, %mul3A_17 : i32
      %add3A_19 = arith.constant 0 : i32
      %add3A_20 = arith.addi %add3A_19, %mul3A_18 : i32
      "tpu.region"() ({
        %run_scoped3A = tpu.sem_alloc : memref<!tpu.dma_semaphore, #tpu.memory_space<semaphore_mem>>
        %dma_start3A_21 = arith.constant 0 : i32
        %dma_start3A_22 = tpu.memref_slice %arg6[%add3A_20, %dma_start3A_21] : memref<80x125xi32, #tpu.memory_space<vmem>> -> memref<1x125xi32, #tpu.memory_space<vmem>>
        %dma_start3A_23 = tpu.memref_squeeze %dma_start3A_22 : memref<1x125xi32, #tpu.memory_space<vmem>> -> memref<125xi32, #tpu.memory_space<vmem>>
        %dma_start3A_24 = arith.constant 0 : i32
        %dma_start3A_25 = arith.constant 0 : i32
        %dma_start3A_26 = tpu.memref_slice %arg8[%dma_start3A_24, %dma_start3A_25] : memref<10240x16xf32, #tpu.memory_space<vmem_shared>> -> memref<10240x16xf32, #tpu.memory_space<vmem_shared>>
        tpu.enqueue_indirect_dma source(%arg7 : memref<125x16xf32, #tpu.memory_space<vmem>>) target(%dma_start3A_26 : memref<10240x16xf32, #tpu.memory_space<vmem_shared>>) offsets(%dma_start3A_23 : memref<125xi32, #tpu.memory_space<vmem>>) semaphore(%run_scoped3A : memref<!tpu.dma_semaphore, #tpu.memory_space<semaphore_mem>>) {add = true}
        %dma_wait3A_27 = arith.constant 0 : i32
        %dma_wait3A_28 = tpu.memref_slice %arg6[%add3A_20, %dma_wait3A_27] : memref<80x125xi32, #tpu.memory_space<vmem>> -> memref<1x125xi32, #tpu.memory_space<vmem>>
        %dma_wait3A_29 = tpu.memref_squeeze %dma_wait3A_28 : memref<1x125xi32, #tpu.memory_space<vmem>> -> memref<125xi32, #tpu.memory_space<vmem>>
        %dma_wait3A_30 = arith.constant 0 : i32
        %dma_wait3A_31 = arith.constant 0 : i32
        %dma_wait3A_32 = tpu.memref_slice %arg8[%dma_wait3A_30, %dma_wait3A_31] : memref<10240x16xf32, #tpu.memory_space<vmem_shared>> -> memref<10240x16xf32, #tpu.memory_space<vmem_shared>>
        tpu.wait_indirect_dma semaphore(%run_scoped3A : memref<!tpu.dma_semaphore, #tpu.memory_space<semaphore_mem>>) src(%arg7 : memref<125x16xf32, #tpu.memory_space<vmem>>) dst(%dma_wait3A_32 : memref<10240x16xf32, #tpu.memory_space<vmem_shared>>)
        tpu.yield
      }) : () -> ()
    }
    %scan3A_12 = arith.constant 80 : i32
    %barrier3A_13 = arith.constant 0 : index
    tpu.barrier barrier_id(%barrier3A_13)
    %mul3A_14 = arith.constant 16 : i32
    %mul3A_15 = arith.muli %arg0, %mul3A_14 : i32
    "tpu.region"() ({
      %run_scoped3A = tpu.sem_alloc : memref<!tpu.dma_semaphore, #tpu.memory_space<semaphore_mem>>
      %dma_start3A_16 = tpu.memref_slice %arg5[%mul3A_2, %mul3A_15] : memref<10240x128xf32, #tpu.memory_space<hbm>> -> memref<640x16xf32, #tpu.memory_space<hbm>>
      %dma_start3A_17 = arith.constant 0 : i32
      %dma_start3A_18 = tpu.memref_slice %arg8[%mul3A_2, %dma_start3A_17] : memref<10240x16xf32, #tpu.memory_space<vmem_shared>> -> memref<640x16xf32, #tpu.memory_space<vmem_shared>>
      tpu.enqueue_dma source(%dma_start3A_18 : memref<640x16xf32, #tpu.memory_space<vmem_shared>>) target(%dma_start3A_16 : memref<640x16xf32, #tpu.memory_space<hbm>>) target_semaphore(%run_scoped3A : memref<!tpu.dma_semaphore, #tpu.memory_space<semaphore_mem>>)
      %dma_wait3A_19 = tpu.memref_slice %arg5[%mul3A_2, %mul3A_15] : memref<10240x128xf32, #tpu.memory_space<hbm>> -> memref<640x16xf32, #tpu.memory_space<hbm>>
      %dma_wait3A_20 = arith.constant 0 : i32
      %dma_wait3A_21 = tpu.memref_slice %arg8[%mul3A_2, %dma_wait3A_20] : memref<10240x16xf32, #tpu.memory_space<vmem_shared>> -> memref<640x16xf32, #tpu.memory_space<vmem_shared>>
      tpu.wait_dma2 semaphore(%run_scoped3A : memref<!tpu.dma_semaphore, #tpu.memory_space<semaphore_mem>>) src(%dma_wait3A_21 : memref<640x16xf32, #tpu.memory_space<vmem_shared>>) dst(%dma_wait3A_19 : memref<640x16xf32, #tpu.memory_space<hbm>>)
      tpu.yield
    }) : () -> ()
    return
  }
}

module attributes {stable_mosaic.version = 14 : i64} {
  func.func @_head_body(%arg0: i32, %arg1: memref<2000x128xf32, #tpu.memory_space<vmem>>, %arg2: memref<2000x128xf32, #tpu.memory_space<vmem>>, %arg3: memref<128x64xf32, #tpu.memory_space<vmem>>, %arg4: memref<2000x1xf32, #tpu.memory_space<vmem>>, %arg5: memref<2000x64xf32, #tpu.memory_space<vmem>>) attributes {dimension_semantics = [#tpu.dimension_semantics<arbitrary>], iteration_bounds = array<i64: 5>, scalar_prefetch = 0 : i64, scratch_operands = 0 : i64, tpu.core_type = #tpu.core_type<tc>, window_params = [{transform_indices = @transform_0, window_bounds = array<i64: 2000, 128>}, {transform_indices = @transform_1, window_bounds = array<i64: 2000, 128>}, {pipeline_mode = #tpu.pipeline_mode<synchronous>, transform_indices = @transform_2, window_bounds = array<i64: 128, 64>}, {transform_indices = @transform_3, window_bounds = array<i64: 2000, 1>}, {transform_indices = @transform_4, window_bounds = array<i64: 2000, 64>}]} {
    %get3A = arith.constant 0 : index
    %get3A_0 = arith.constant 0 : index
    %get3A_1 = vector.load %arg1[%get3A, %get3A_0] : memref<2000x128xf32, #tpu.memory_space<vmem>>, vector<2000x1xf32>
    %get3A_2 = arith.constant 0 : index
    %get3A_3 = arith.constant 16 : index
    %get3A_4 = vector.load %arg1[%get3A_2, %get3A_3] : memref<2000x128xf32, #tpu.memory_space<vmem>>, vector<2000x1xf32>
    %add3A = arith.addf %get3A_1, %get3A_4 : vector<2000x1xf32>
    %add3A_5 = arith.constant 1.000000e+00 : f32
    %add3A_6 = vector.broadcast %add3A_5 : f32 to vector<2000x1xf32>
    %add3A_7 = arith.addf %add3A, %add3A_6 : vector<2000x1xf32>
    %rsqrt3A = math.rsqrt %add3A_7 : vector<2000x1xf32>
    %swap3A = arith.constant 0 : index
    %swap3A_8 = arith.constant 0 : index
    %swap3A_9 = vector.load %arg4[%swap3A, %swap3A_8] : memref<2000x1xf32, #tpu.memory_space<vmem>>, vector<2000x1xf32>
    tpu.vector_store %arg4[%swap3A, %swap3A_8], %rsqrt3A {strides = array<i32>} : memref<2000x1xf32, #tpu.memory_space<vmem>>, vector<2000x1xf32>,
    %get3A_10 = arith.constant 0 : index
    %get3A_11 = arith.constant 0 : index
    %get3A_12 = vector.load %arg2[%get3A_10, %get3A_11] : memref<2000x128xf32, #tpu.memory_space<vmem>>, vector<2000x128xf32>
    %get3A_13 = arith.constant 0 : index
    %get3A_14 = arith.constant 0 : index
    %get3A_15 = vector.load %arg3[%get3A_13, %get3A_14] : memref<128x64xf32, #tpu.memory_space<vmem>>, vector<128x64xf32>
    %dot_general3A = arith.constant dense<0.000000e+00> : vector<2000x64xf32>
    %dot_general3A_16 = tpu.matmul %get3A_12, %get3A_15, %dot_general3A {dimension_numbers = #tpu.dot_dimension_numbers<[1], [0], [0], [1], [0, 0, 1, 1], [], []>, transpose_lhs_hint = false} : vector<2000x128xf32>, vector<128x64xf32>, vector<2000x64xf32> -> vector<2000x64xf32>
    %mul3A = vector.broadcast %rsqrt3A : vector<2000x1xf32> to vector<2000x64xf32>
    %mul3A_17 = arith.mulf %dot_general3A_16, %mul3A : vector<2000x64xf32>
    %swap3A_18 = arith.constant 0 : index
    %swap3A_19 = arith.constant 0 : index
    %swap3A_20 = vector.load %arg5[%swap3A_18, %swap3A_19] : memref<2000x64xf32, #tpu.memory_space<vmem>>, vector<2000x64xf32>
    tpu.vector_store %arg5[%swap3A_18, %swap3A_19], %mul3A_17 {strides = array<i32>} : memref<2000x64xf32, #tpu.memory_space<vmem>>, vector<2000x64xf32>,
    return
  }
  func.func @transform_0(%arg0: i32) -> (i32, i32) {
    %c0_i32 = arith.constant 0 : i32
    %c0_i32_0 = arith.constant 0 : i32
    return %arg0, %c0_i32 : i32, i32
  }
  func.func @transform_1(%arg0: i32) -> (i32, i32) {
    %c0_i32 = arith.constant 0 : i32
    %c0_i32_0 = arith.constant 0 : i32
    return %arg0, %c0_i32 : i32, i32
  }
  func.func @transform_2(%arg0: i32) -> (i32, i32) {
    %c0_i32 = arith.constant 0 : i32
    %c0_i32_0 = arith.constant 0 : i32
    %c0_i32_1 = arith.constant 0 : i32
    return %c0_i32, %c0_i32_0 : i32, i32
  }
  func.func @transform_3(%arg0: i32) -> (i32, i32) {
    %c0_i32 = arith.constant 0 : i32
    %c0_i32_0 = arith.constant 0 : i32
    return %arg0, %c0_i32 : i32, i32
  }
  func.func @transform_4(%arg0: i32) -> (i32, i32) {
    %c0_i32 = arith.constant 0 : i32
    %c0_i32_0 = arith.constant 0 : i32
    return %arg0, %c0_i32 : i32, i32
  }
}

module attributes {stable_mosaic.version = 14 : i64} {
  func.func @_mid_body(%arg0: i32, %arg1: memref<2000x128xf32, #tpu.memory_space<vmem>>, %arg2: memref<2000x64xf32, #tpu.memory_space<vmem>>, %arg3: memref<2000x1xf32, #tpu.memory_space<vmem>>, %arg4: memref<1x64xf32, #tpu.memory_space<vmem>>, %arg5: memref<64x64xf32, #tpu.memory_space<vmem>>, %arg6: memref<2000x64xf32, #tpu.memory_space<vmem>>) attributes {dimension_semantics = [#tpu.dimension_semantics<arbitrary>], iteration_bounds = array<i64: 5>, scalar_prefetch = 0 : i64, scratch_operands = 0 : i64, tpu.core_type = #tpu.core_type<tc>, window_params = [{transform_indices = @transform_0, window_bounds = array<i64: 2000, 128>}, {transform_indices = @transform_1, window_bounds = array<i64: 2000, 64>}, {transform_indices = @transform_2, window_bounds = array<i64: 2000, 1>}, {pipeline_mode = #tpu.pipeline_mode<synchronous>, transform_indices = @transform_3, window_bounds = array<i64: 1, 64>}, {pipeline_mode = #tpu.pipeline_mode<synchronous>, transform_indices = @transform_4, window_bounds = array<i64: 64, 64>}, {transform_indices = @transform_5, window_bounds = array<i64: 2000, 64>}]} {
    %get3A = arith.constant 0 : index
    %get3A_0 = arith.constant 0 : index
    %get3A_1 = vector.load %arg3[%get3A, %get3A_0] : memref<2000x1xf32, #tpu.memory_space<vmem>>, vector<2000x1xf32>
    %get3A_2 = arith.constant 0 : index
    %get3A_3 = arith.constant 0 : index
    %get3A_4 = vector.load %arg1[%get3A_2, %get3A_3] : memref<2000x128xf32, #tpu.memory_space<vmem>>, vector<2000x64xf32>
    %get3A_5 = arith.constant 0 : index
    %get3A_6 = arith.constant 64 : index
    %get3A_7 = vector.load %arg1[%get3A_5, %get3A_6] : memref<2000x128xf32, #tpu.memory_space<vmem>>, vector<2000x64xf32>
    %add3A = arith.addf %get3A_4, %get3A_7 : vector<2000x64xf32>
    %get3A_8 = arith.constant 0 : index
    %get3A_9 = arith.constant 0 : index
    %get3A_10 = vector.load %arg2[%get3A_8, %get3A_9] : memref<2000x64xf32, #tpu.memory_space<vmem>>, vector<2000x64xf32>
    %add3A_11 = arith.addf %add3A, %get3A_10 : vector<2000x64xf32>
    %mul3A = vector.broadcast %get3A_1 : vector<2000x1xf32> to vector<2000x64xf32>
    %mul3A_12 = arith.mulf %mul3A, %add3A_11 : vector<2000x64xf32>
    %get3A_13 = arith.constant 0 : index
    %get3A_14 = arith.constant 0 : index
    %get3A_15 = vector.load %arg4[%get3A_13, %get3A_14] : memref<1x64xf32, #tpu.memory_space<vmem>>, vector<1x64xf32>
    %add3A_16 = vector.broadcast %get3A_15 : vector<1x64xf32> to vector<2000x64xf32>
    %add3A_17 = arith.addf %mul3A_12, %add3A_16 : vector<2000x64xf32>
    %max3A = arith.constant 0.000000e+00 : f32
    %max3A_18 = vector.broadcast %max3A : f32 to vector<2000x64xf32>
    %max3A_19 = arith.maximumf %add3A_17, %max3A_18 : vector<2000x64xf32>
    %get3A_20 = arith.constant 0 : index
    %get3A_21 = arith.constant 0 : index
    %get3A_22 = vector.load %arg5[%get3A_20, %get3A_21] : memref<64x64xf32, #tpu.memory_space<vmem>>, vector<64x64xf32>
    %dot_general3A = arith.constant dense<0.000000e+00> : vector<2000x64xf32>
    %dot_general3A_23 = tpu.matmul %max3A_19, %get3A_22, %dot_general3A {dimension_numbers = #tpu.dot_dimension_numbers<[1], [0], [0], [1], [0, 0, 1, 1], [], []>, transpose_lhs_hint = false} : vector<2000x64xf32>, vector<64x64xf32>, vector<2000x64xf32> -> vector<2000x64xf32>
    %mul3A_24 = vector.broadcast %get3A_1 : vector<2000x1xf32> to vector<2000x64xf32>
    %mul3A_25 = arith.mulf %dot_general3A_23, %mul3A_24 : vector<2000x64xf32>
    %swap3A = arith.constant 0 : index
    %swap3A_26 = arith.constant 0 : index
    %swap3A_27 = vector.load %arg6[%swap3A, %swap3A_26] : memref<2000x64xf32, #tpu.memory_space<vmem>>, vector<2000x64xf32>
    tpu.vector_store %arg6[%swap3A, %swap3A_26], %mul3A_25 {strides = array<i32>} : memref<2000x64xf32, #tpu.memory_space<vmem>>, vector<2000x64xf32>,
    return
  }
  func.func @transform_0(%arg0: i32) -> (i32, i32) {
    %c0_i32 = arith.constant 0 : i32
    %c0_i32_0 = arith.constant 0 : i32
    return %arg0, %c0_i32 : i32, i32
  }
  func.func @transform_1(%arg0: i32) -> (i32, i32) {
    %c0_i32 = arith.constant 0 : i32
    %c0_i32_0 = arith.constant 0 : i32
    return %arg0, %c0_i32 : i32, i32
  }
  func.func @transform_2(%arg0: i32) -> (i32, i32) {
    %c0_i32 = arith.constant 0 : i32
    %c0_i32_0 = arith.constant 0 : i32
    return %arg0, %c0_i32 : i32, i32
  }
  func.func @transform_3(%arg0: i32) -> (i32, i32) {
    %c0_i32 = arith.constant 0 : i32
    %c0_i32_0 = arith.constant 0 : i32
    %c0_i32_1 = arith.constant 0 : i32
    return %c0_i32, %c0_i32_0 : i32, i32
  }
  func.func @transform_4(%arg0: i32) -> (i32, i32) {
    %c0_i32 = arith.constant 0 : i32
    %c0_i32_0 = arith.constant 0 : i32
    %c0_i32_1 = arith.constant 0 : i32
    return %c0_i32, %c0_i32_0 : i32, i32
  }
  func.func @transform_5(%arg0: i32) -> (i32, i32) {
    %c0_i32 = arith.constant 0 : i32
    %c0_i32_0 = arith.constant 0 : i32
    return %arg0, %c0_i32 : i32, i32
  }
}

module attributes {stable_mosaic.version = 14 : i64} {
  func.func @_fin_body(%arg0: i32, %arg1: memref<2000x128xf32, #tpu.memory_space<vmem>>, %arg2: memref<2000x64xf32, #tpu.memory_space<vmem>>, %arg3: memref<2000x1xf32, #tpu.memory_space<vmem>>, %arg4: memref<1x64xf32, #tpu.memory_space<vmem>>, %arg5: memref<2000x64xf32, #tpu.memory_space<vmem>>) attributes {dimension_semantics = [#tpu.dimension_semantics<arbitrary>], iteration_bounds = array<i64: 5>, scalar_prefetch = 0 : i64, scratch_operands = 0 : i64, tpu.core_type = #tpu.core_type<tc>, window_params = [{transform_indices = @transform_0, window_bounds = array<i64: 2000, 128>}, {transform_indices = @transform_1, window_bounds = array<i64: 2000, 64>}, {transform_indices = @transform_2, window_bounds = array<i64: 2000, 1>}, {pipeline_mode = #tpu.pipeline_mode<synchronous>, transform_indices = @transform_3, window_bounds = array<i64: 1, 64>}, {transform_indices = @transform_4, window_bounds = array<i64: 2000, 64>}]} {
    %get3A = arith.constant 0 : index
    %get3A_0 = arith.constant 0 : index
    %get3A_1 = vector.load %arg1[%get3A, %get3A_0] : memref<2000x128xf32, #tpu.memory_space<vmem>>, vector<2000x64xf32>
    %get3A_2 = arith.constant 0 : index
    %get3A_3 = arith.constant 64 : index
    %get3A_4 = vector.load %arg1[%get3A_2, %get3A_3] : memref<2000x128xf32, #tpu.memory_space<vmem>>, vector<2000x64xf32>
    %add3A = arith.addf %get3A_1, %get3A_4 : vector<2000x64xf32>
    %get3A_5 = arith.constant 0 : index
    %get3A_6 = arith.constant 0 : index
    %get3A_7 = vector.load %arg3[%get3A_5, %get3A_6] : memref<2000x1xf32, #tpu.memory_space<vmem>>, vector<2000x1xf32>
    %get3A_8 = arith.constant 0 : index
    %get3A_9 = arith.constant 0 : index
    %get3A_10 = vector.load %arg2[%get3A_8, %get3A_9] : memref<2000x64xf32, #tpu.memory_space<vmem>>, vector<2000x64xf32>
    %add3A_11 = arith.addf %add3A, %get3A_10 : vector<2000x64xf32>
    %mul3A = vector.broadcast %get3A_7 : vector<2000x1xf32> to vector<2000x64xf32>
    %mul3A_12 = arith.mulf %mul3A, %add3A_11 : vector<2000x64xf32>
    %get3A_13 = arith.constant 0 : index
    %get3A_14 = arith.constant 0 : index
    %get3A_15 = vector.load %arg4[%get3A_13, %get3A_14] : memref<1x64xf32, #tpu.memory_space<vmem>>, vector<1x64xf32>
    %add3A_16 = vector.broadcast %get3A_15 : vector<1x64xf32> to vector<2000x64xf32>
    %add3A_17 = arith.addf %mul3A_12, %add3A_16 : vector<2000x64xf32>
    %swap3A = arith.constant 0 : index
    %swap3A_18 = arith.constant 0 : index
    %swap3A_19 = vector.load %arg5[%swap3A, %swap3A_18] : memref<2000x64xf32, #tpu.memory_space<vmem>>, vector<2000x64xf32>
    tpu.vector_store %arg5[%swap3A, %swap3A_18], %add3A_17 {strides = array<i32>} : memref<2000x64xf32, #tpu.memory_space<vmem>>, vector<2000x64xf32>,
    return
  }
  func.func @transform_0(%arg0: i32) -> (i32, i32) {
    %c0_i32 = arith.constant 0 : i32
    %c0_i32_0 = arith.constant 0 : i32
    return %arg0, %c0_i32 : i32, i32
  }
  func.func @transform_1(%arg0: i32) -> (i32, i32) {
    %c0_i32 = arith.constant 0 : i32
    %c0_i32_0 = arith.constant 0 : i32
    return %arg0, %c0_i32 : i32, i32
  }
  func.func @transform_2(%arg0: i32) -> (i32, i32) {
    %c0_i32 = arith.constant 0 : i32
    %c0_i32_0 = arith.constant 0 : i32
    return %arg0, %c0_i32 : i32, i32
  }
  func.func @transform_3(%arg0: i32) -> (i32, i32) {
    %c0_i32 = arith.constant 0 : i32
    %c0_i32_0 = arith.constant 0 : i32
    %c0_i32_1 = arith.constant 0 : i32
    return %c0_i32, %c0_i32_0 : i32, i32
  }
  func.func @transform_4(%arg0: i32) -> (i32, i32) {
    %c0_i32 = arith.constant 0 : i32
    %c0_i32_0 = arith.constant 0 : i32
    return %arg0, %c0_i32 : i32, i32
  }
}

</mosaic_0001>

<sc_bundles>
// kernel: kernel.11.cloned.1.call-start
scs
__scs_entry_jumppad:
0x0: {  	(pc) =	sbr.rel $0x88, $3  }
0x1: {  	(tag) =	ssettag $0x0;
	lr =	simm.s32 $0x1  }
0x2: {  	[smem:$0x3F9B] =	sst lr;
	_ =	strace $0xD0000000  }
0x3: {  	_ = 	snop  }
0x4: {  	_ = 	snop  }
0x5: {  	_ = 	snop  }
0x6: {  	_ = 	snop  }
0x7: {  	_ = 	snop  }
__scs_overlays_trampoline_lowered:
0x8: {  	[smem:$0x3FAA] =	sst s0  }
0x9: {  	[smem:$0x3FAB] =	sst s1  }
0xa: {  	[smem:$0x3FAC] =	sst s2  }
0xb: {  	[smem:$0x3FAD] =	sst s3  }
0xc: {  	[smem:$0x3FAE] =	sst s4  }
0xd: {  	[smem:$0x3FAF] =	sst s5  }
0xe: {  	[smem:$0x3FB0] =	sst s6  }
0xf: {  	[smem:$0x3FB1] =	sst s7  }
0x10: {  	[smem:$0x3FB2] =	sst s8  }
0x11: {  	[smem:$0x3FB3] =	sst s9;
	s0 =	simm.s32 @!p0 $0x0  }
0x12: {  	s1 =	sld [smem:$0x3F99];
	s0 =	simm.s32 @p0 $0x1  }
0x13: {  	[smem:$0x3FB4] =	sst s0;
	s0 =	simm.s32 @!p1 $0x0  }
0x14: {  	s2 =	sld [smem:$0x3F98];
	s0 =	simm.s32 @p1 $0x1  }
0x15: {  	[smem:$0x3FB5] =	sst s0;
	s0 =	simm.s32 @!p2 $0x0  }
0x16: {  	s3 =	sld [smem:$0x3FDB];
	s0 =	simm.s32 @p2 $0x1  }
0x17: {  	s4 =	simm.s32 $0x1BF5;
	[smem:$0x3FB7] =	sst s0  }
0x18: {  	s0 =	sld [smem:$0x3F9A];
	_ =	swait.ge [sflag:s4], $0x0  }
0x19: {  	s7 =	sld [smem:$0x3F9B]  }
0x1a: {  	s8 =	sadd.s32 $0xFFFFE003, lr  }
0x1b: {  	s9 =	sadd.s32 $0xFFFFFEF7, lr;
	s5 =	simm.s32 $0xFFFFFFFF;
	p2 =	slt.u32 s8, $0xFFFFF086  }
0x1c: {  	p1 =	slt.u32 s9, $0xF7A;
	s5 =	simm.s32 @!p2 $0x0  }
0x1d: {  	s5 =	simm.s32 @p1 $0x1;
	p0 =	seq.s32 s7, s2  }
0x1e: {  	s7 =	smul.u32 @!p0 $0xF7A, s2;
	p2 =	seq.s32 @!p0 s5, $0x0  }
0x1f: {  	s9 =	smul.u32 $0xF7A, s1;
	s8 =	simm.s32 @!p0 $0x1BF5;
	p2 =	por !p2, p0  }
0x20: {  	[sflag:s8] =	ssyncset.s32 @!p0 $0xFFFFF086;
	s6 =	sadd.s32 @!p0 s3, s7;
	s7 =	simm.s32 @!p0 $0x108  }
0x21: {  	s3 =	sadd.s32 s3, s9;
	s6 =	sadd.s32 @!p0 $0x88, s6;
	s7 =	simm.s32 @p2 $0x1082  }
0x22: {  	[simem:s7], [sflag:s8] =	dma.local @!p0 [hbm:s6], $0xF7A  }
0x23: {  	s9 =	sor.u32 $0xD0000000, s2;
	s6 =	simm.s32 $0x108;
	_ =	swait.ge @!p0 [sflag:s8], $0x0  }
0x24: {  	s3 =	sadd.s32 $0x88, s3;
	s6 =	simm.s32 @!p1 $0x1082;
	[sflag:s4] =	ssyncset.s32 $0xFFFFF086  }
0x25: {  	[simem:s6], [sflag:s4] =	dma.local [hbm:s3], $0xF7A  }
0x26: {  	[smem:$0x3F9B] =	sst s1;
	(tag) =	ssettag s2;
	_ =	strace s9  }
0x27: {  	s1 =	sld [smem:$0x3FAB]  }
0x28: {  	s2 =	sld [smem:$0x3FAC]  }
0x29: {  	s4 =	sld [smem:$0x3FAE]  }
0x2a: {  	p0 =	seq.s32 s5, $0x0;
	s5 =	sld [smem:$0x3FAF]  }
0x2b: {  	s6 =	sld [smem:$0x3FB0]  }
0x2c: {  	s7 =	sld [smem:$0x3FB1]  }
0x2d: {  	s3 =	simm.s32 $0x108;
	s8 =	sld [smem:$0x3FB2]  }
0x2e: {  	s3 =	simm.s32 @!p0 $0x1082;
	s9 =	sld [smem:$0x3FB3]  }
0x2f: {  	lr =	sadd.s32 s0, s3;
	s0 =	sld [smem:$0x3FAA]  }
0x30: {  	s3 =	sld [smem:$0x3FAD]  }
0x31: {  	[smem:$0x3FB6] =	sst s10  }
0x32: {  	s10 =	sld [smem:$0x3FB4];
	_ =	sdelay $0x3  }
0x33: {  	p0 =	seq.s32 s10, $0x1;
	s10 =	sld [smem:$0x3FB6];
	_ =	sdelay $0x3  }
0x34: {  	[smem:$0x3FB6] =	sst s10  }
0x35: {  	s10 =	sld [smem:$0x3FB5];
	_ =	sdelay $0x3  }
0x36: {  	p1 =	seq.s32 s10, $0x1;
	s10 =	sld [smem:$0x3FB6];
	_ =	sdelay $0x3  }
0x37: {  	[smem:$0x3FB6] =	sst s10  }
0x38: {  	s10 =	sld [smem:$0x3FB7]  }
0x39: {  	_ = 	snop;
	(pc) =	sbr.ind lr, $3  }
0x3a: {  	_ = 	snop  }
0x3b: {  	_ = 	snop  }
0x3c: {  	p2 =	seq.s32 s10, $0x1;
	s10 =	sld [smem:$0x3FB6]  }
0x3d: {  	_ =	shalt  }
0x3e: {  	_ =	shalt  }
0x3f: {  	_ =	shalt  }
0x40: {  	_ =	shalt  }
0x41: {  	_ =	shalt  }
0x42: {  	_ =	shalt  }
0x43: {  	_ =	shalt  }
0x44: {  	_ =	shalt  }
0x45: {  	_ =	shalt  }
0x46: {  	_ =	shalt  }
0x47: {  	_ =	shalt  }
0x48: {  	_ =	shalt  }
0x49: {  	_ =	shalt  }
0x4a: {  	_ =	shalt  }
0x4b: {  	_ =	shalt  }
0x4c: {  	_ =	shalt  }
0x4d: {  	_ =	shalt  }
0x4e: {  	_ =	shalt  }
0x4f: {  	_ =	shalt  }
0x50: {  	_ =	shalt  }
0x51: {  	_ =	shalt  }
0x52: {  	_ =	shalt  }
0x53: {  	_ =	shalt  }
0x54: {  	_ =	shalt  }
0x55: {  	_ =	shalt  }
0x56: {  	_ =	shalt  }
0x57: {  	_ =	shalt  }
0x58: {  	_ =	shalt  }
0x59: {  	_ =	shalt  }
0x5a: {  	_ =	shalt  }
0x5b: {  	_ =	shalt  }
0x5c: {  	_ =	shalt  }
0x5d: {  	_ =	shalt  }
0x5e: {  	_ =	shalt  }
0x5f: {  	_ =	shalt  }
0x60: {  	_ =	shalt  }
0x61: {  	_ =	shalt  }
0x62: {  	_ =	shalt  }
0x63: {  	_ =	shalt  }
0x64: {  	_ =	shalt  }
0x65: {  	_ =	shalt  }
0x66: {  	_ =	shalt  }
0x67: {  	_ =	shalt  }
0x68: {  	_ =	shalt  }
0x69: {  	_ =	shalt  }
0x6a: {  	_ =	shalt  }
0x6b: {  	_ =	shalt  }
0x6c: {  	_ =	shalt  }
0x6d: {  	_ =	shalt  }
0x6e: {  	_ =	shalt  }
0x6f: {  	_ =	shalt  }
0x70: {  	_ =	shalt  }
0x71: {  	_ =	shalt  }
0x72: {  	_ =	shalt  }
0x73: {  	_ =	shalt  }
0x74: {  	_ =	shalt  }
0x75: {  	_ =	shalt  }
0x76: {  	_ =	shalt  }
0x77: {  	_ =	shalt  }
0x78: {  	_ =	shalt  }
0x79: {  	_ =	shalt  }
0x7a: {  	_ =	shalt  }
0x7b: {  	_ =	shalt  }
0x7c: {  	_ =	shalt  }
0x7d: {  	_ =	shalt  }
0x7e: {  	_ =	shalt  }
0x7f: {  	_ =	shalt  }
0x80: {  	_ =	shalt  }
0x81: {  	_ =	shalt  }
0x82: {  	_ =	shalt  }
0x83: {  	_ =	shalt  }
0x84: {  	_ =	shalt  }
0x85: {  	_ =	shalt  }
0x86: {  	_ =	shalt  }
0x87: {  	_ =	shalt  }
.Lfunc_end0:
.L_simem_size_0:
called_computation.1_lowered:
.L_overlay_start_0:
0x88: {  	s2 =	sld [smem:$0x3FD9]  }
0x89: {  	s3 =	sld [smem:$0x3FFE];
	_ =	sdelay $0x1  }
0x8a: {  	s1 =	srdreg.scid  }
0x8b: {  	s0 =	sand.u32 $0x1, s1  }
0x8c: {  	s17 =	sshll.u32 s0, $0xA;
	s2 =	sadd.s32 s3, s2  }
0x8d: {  	s2 =	sadd.s32 s2, s17  }
0x8e: {  	[smem:$0x3FC2] =	sst s2  }
0x8f: {  	_ = 	snop  }
0x90: {  	s2 =	sld [smem:$0x3FD0];
	(tm) =	ssettm $0x1  }
0x91: {  	s18 =	sld [smem:$0x3FFB];
	_ =	sdelay $0x3  }
0x92: {  	_ =	strace s18  }
0x93: {  	s3 =	sld [smem:$0x3FFC];
	_ =	sdelay $0x3  }
0x94: {  	_ =	strace s3  }
0x95: {  	s3 =	sld [smem:$0x3FFD];
	_ =	sdelay $0x3  }
0x96: {  	_ =	strace s3  }
0x97: {  	_ =	strace $0x8FFFFFFF  }
0x98: {  	s19 =	sld [smem:$0x3FDB];
	_ =	sdelay $0x1  }
0x99: {  	s4 =	simm.s32 $_scs_section_size  }
0x9a: {  	s5 =	simm.s32 $_size__tile_overlayer_lowered;
	s6 =	simm.s32 $_tile_overlayer_lowered  }
0x9b: {  	s22 =	simm.s32 $0x1BFF;
	s21 =	sshll.u32 s6, $0x1;
	s3 =	sadd.s32 s4, s19  }
0x9c: {  	s7 =	simm.s32 $0x0;
	s20 =	sshll.u32 s5, $0x1;
	s5 =	sadd.s32 s21, s3  }
0x9d: {  	[timem:s7], [sflag:s22] =	dma.local [hbm:s5], s20  }
0x9e: {  	_ =	swait.ge [sflag:s22], s20  }
0x9f: {  	s4 =	ssub.s32 $0x0, s20;
	[sflag:s22] =	ssyncset.done $0x0  }
0xa0: {  	[sflag:s22] =	ssyncadd.s32 s4;
	_ =	sdelay $0x1  }
0xa1: {  	s23 =	simm.s32 $0x1B8B  }
0xa2: {  	_ =	swait.ge [sflag:s23], $0x1  }
0xa3: {  	[sflag:s23] =	ssyncset.done $0x0  }
0xa4: {  	s25 =	simm.s32 $0x1B8E;
	s24 =	sld [smem:$0x3FFE];
	[sflag:s23] =	ssyncadd.s32 $0xFFFFFFFF  }
0xa5: {  	s26 =	simm.s32 $execute0_lowered;
	[smem:$0x3FD2] =	sst s25  }
0xa6: {  	s5 =	sshll.u32 s26, $0x1;
	_ =	strace $0x80000049;
	[dreg:$0x1] =	wrdreg $0xFFFFFFFF  }
0xa7: {  	s28 =	simm.s32 $_size_execute0_lowered;
	s3 =	sadd.s32 s3, s5;
	[dreg:$0x0] =	wrdreg $0x0  }
0xa8: {  	s5 =	sshll.u32 s28, $0x1;
	[dreg:$0x2] =	wrdreg s3  }
0xa9: {  	[dreg:$0x3] =	wrdreg s5  }
0xaa: {  	[dreg:$0x4] =	wrdreg $0xC0  }
0xab: {  	_ =	task [dreg:s7], $0x5FFFF  }
0xac: {  	[dreg:$0x1] =	wrdreg $0xFFFFFFFF  }
0xad: {  	[dreg:$0x0] =	wrdreg $0x60  }
0xae: {  	[dreg:$0x2] =	wrdreg s2  }
0xaf: {  	[dreg:$0x3] =	wrdreg s24  }
0xb0: {  	[dreg:$0x4] =	wrdreg $0x149600  }
0xb1: {  	[dreg:$0x5] =	wrdreg $0x9  }
0xb2: {  	_ =	task.clear_ibuf [dreg:s7], $0x6FFFF;
	_ =	strace $0x90000049  }
0xb3: {  	s29 =	simm.s32 $0x9;
	_ =	strace $0x8000004B  }
0xb4: {  	_ =	swait.ge [sflag:s29], $0x1  }
0xb5: {  	[sflag:s29] =	ssyncadd.s32 $0xFFFFFFFF  }
0xb6: {  	_ =	strace $0x9000004B  }
0xb7: {  	_ =	sfence  }
0xb8: {  	s30 =	sld [smem:$0x0];
	_ =	sdelay $0x2  }
0xb9: {  	s31 =	sshll.u32 s1, $0xD;
	s1 =	sshrl.u32 s1, $0x2  }
0xba: {  	s3 =	sand.u32 $0x4000, s31;
	s1 =	sadd.s32 s1, s30  }
0xbb: {  	s0 =	sor.u32 s3, s0;
	s1 =	sshll.u32 s1, $0x11  }
0xbc: {  	s0 =	sor.u32 s1, s0  }
0xbd: {  	s0 =	sadd.s32 $0x8F2B, s0  }
0xbe: {  	[sflag:s0] =	ssyncadd.remote.s32 $0x1  }
0xbf: {  	_ =	sfence.sel $0xFFFF  }
0xc0: {  	[dreg:$0x0] =	wrdreg $0xFFFFFFFF;
	(pc) =	sbr.abs _section_cstart, $3  }
0xc1: {  	[dreg:$0x1] =	wrdreg $0xFFFFFFFF  }
0xc2: {  	_ =	task.clear_ibuf [dreg:s7], $0x2FFFF;
	_ =	strace $0x9FFFFFFF  }
0xc3: {  	(tm) =	ssettm $0x7FFFFFFF  }
tec
execute0_lowered:
.L_overlay_start_1:
0x0: {  	(tag) =	ssettag $0x1  }
0x1: {  	s1 =	rddreg [dreg:$0x0]  }
0x2: {  	s0 =	srdreg.scid;
	s5 =	rddreg [dreg:$0x1]  }
0x3: {  	s13 =	stileid.u32;
	s3 =	rddreg [dreg:$0x2]  }
0x4: {  	s4 =	simm.s32 $0x0;
	s15 =	simm.s32 $0x1;
	s16 =	simm.s32 $0x1F4  }
0x5: {  	s17 =	simm.s32 $0x4F60;
	s18 =	simm.s32 $0x1F8;
	s19 =	simm.s32 $0xCC60  }
0x6: {  	s20 =	simm.s32 $0x7D;
	s21 =	simm.s32 $0x6EA0;
	s22 =	simm.s32 $0x8DE0  }
0x7: {  	s23 =	simm.s32 $0xAD20;
	s24 =	simm.s32 $0x2;
	s25 =	simm.s32 $0xEBA0  }
0x8: {  	s26 =	simm.s32 $0x10AE0;
	s28 =	simm.s32 $0x12A20;
	s7 =	smul.u32 $0x14000, s13  }
0x9: {  	s0 =	sand.u32 $0x1, s0;
	[smem:$0x7FF] =	sst s4;
	s8 =	smul.u32 $0xA000, s13  }
0xa: {  	s2 =	sshll.u32 s0, $0x4;
	_ =	strace $0x8000004A;
	s9 =	sshll.u32 s0, $0x6  }
0xb: {  	s0 =	ssub.s32 $0x2, s0;
	s2 =	sor.u32 s13, s2;
	s29 =	sor.u32 s9, s7  }
0xc: {  	s30 =	sshrl.u32 s8, $0x3;
	s31 =	sshrl.u32 s0, $0x1;
	s6 =	smul.u32 $0x4EC, s2  }
0xd: {  	s12 =	sadd.s32 s8, s3;
	s2 =	smul.u32 $0x500, s2;
	s7 =	sadd.s32 s30, s5  }
0xe: {  	s0 =	ssub.s32 s0, s31;
	s10 =	sadd.s32 s6, s5;
	s6 =	sshrl.u32 s29, $0x3  }
0xf: {  	s12 =	sshrl.u32 s12, $0x3;
	s2 =	sadd.s32 s2, s5;
	s11 =	sadd.s32 s6, s5  }
0x10: {  	s5 =	sshll.u32 s13, $0x6;
	s6 =	sadd.s32 $0x3E600, s7;
	s8 =	sadd.s32 $0x34800, s10  }
0x11: {  	s9 =	sadd.s32 $0x2600, s2;
	s13 =	simm.s32 $0x3;
	s7 =	sor.u32 $0x1C01, s5  }
0x12: {  	s10 =	sadd.s32 $0x52600, s11;
	s11 =	smax.u32 s0, $0x1;
	s0 =	simm.s32 $0x0  }
.LBB2_1:
0x13: {  	[spmem:s12], [sflag:s7] =	dma.local [hbm:s6], $0x1400  }
0x14: {  	[tilespmem:s4], [sflag:$0x3] =	stream.linear.gather [hbm4b:s8+s4], $0x2760, $0x38;
	[tilespmem:$0x1E960] =	vst v63  }
0x15: {  	_ =	swait.ge [sflag:s13], $0x2760  }
0x16: {  	[sflag:s13] =	ssyncset.done $0x0  }
0x17: {  	s2 =	simm.s32 $0x2760;
	[sflag:s13] =	ssyncadd.s32 $0xFFFFD8A0  }
0x18: {  	[tilespmem:s2], [sflag:$0x3] =	stream.linear.gather [hbm4b:s9+s4], $0x2800, $0x38;
	[tilespmem:$0x1E960] =	vst v63  }
0x19: {  	_ =	swait.ge [sflag:s13], $0x2800  }
0x1a: {  	[sflag:s13] =	ssyncset.done $0x0  }
0x1b: {  	[sflag:s13] =	ssyncadd.s32 $0xFFFFD800  }
0x1c: {  	_ =	swait.ge [sflag:s15], $0x1400  }
0x1d: {  	[sflag:s15] =	ssyncset.done $0x0  }
0x1e: {  	[sflag:s15] =	ssyncadd.s32 $0xFFFFEC00  }
0x1f: {  	[bflag:$0x0] =	sbarrier.arrive $0xFFFF  }
0x20: {  	[tilespmem:s17], [sflag:$0x1] =	stream.indirect.gather [hbm4b:s1+s16], $0x40, s4, s16, $0xb8;
	[tilespmem:$0x1E960] =	vst v63  }
0x21: {  	_ = 	snop  }
0x22: {  	[tilespmem:s19], [sflag:$0x2] =	stream.indirect.gather [hbm4b:s1+s16], $0x40, s18, s16, $0xb8;
	[tilespmem:$0x1E960] =	vst v63  }
0x23: {  	_ =	swait.ge [sflag:s15], $0x7D00  }
0x24: {  	[sflag:s15] =	ssyncset.done $0x0  }
0x25: {  	s14 =	simm.s32 $0x2760;
	[sflag:s15] =	ssyncadd.s32 $0xFFFF8300  }
0x26: {  	[spmem:s3] =	stream.indirect.scatter.add.f32 [tilespmem:s17], [sflag:$0x3], $0x40, s14, s20, $0xb8;
	[tilespmem:$0x1E960] =	vst v63  }
0x27: {  	_ =	swait.ge [sflag:s13], $0x1F40  }
0x28: {  	[sflag:s13] =	ssyncset.done $0x0  }
0x29: {  	s2 =	simm.s32 $0x27E0;
	[sflag:s13] =	ssyncadd.s32 $0xFFFFE0C0  }
0x2a: {  	[spmem:s3] =	stream.indirect.scatter.add.f32 [tilespmem:s21], [sflag:$0x3], $0x40, s2, s20, $0xb8;
	[tilespmem:$0x1E960] =	vst v63  }
0x2b: {  	_ =	swait.ge [sflag:s13], $0x1F40  }
0x2c: {  	[sflag:s13] =	ssyncset.done $0x0  }
0x2d: {  	s31 =	simm.s32 $0x2860;
	[sflag:s13] =	ssyncadd.s32 $0xFFFFE0C0  }
0x2e: {  	[spmem:s3] =	stream.indirect.scatter.add.f32 [tilespmem:s22], [sflag:$0x3], $0x40, s31, s20, $0xb8;
	[tilespmem:$0x1E960] =	vst v63  }
0x2f: {  	_ =	swait.ge [sflag:s13], $0x1F40  }
0x30: {  	[sflag:s13] =	ssyncset.done $0x0  }
0x31: {  	s2 =	simm.s32 $0x28E0;
	[sflag:s13] =	ssyncadd.s32 $0xFFFFE0C0  }
0x32: {  	[spmem:s3] =	stream.indirect.scatter.add.f32 [tilespmem:s23], [sflag:$0x3], $0x40, s2, s20, $0xb8;
	[tilespmem:$0x1E960] =	vst v63  }
0x33: {  	_ =	swait.ge [sflag:s13], $0x1F40  }
0x34: {  	[sflag:s13] =	ssyncset.done $0x0  }
0x35: {  	s31 =	simm.s32 $0x3F0;
	[sflag:s13] =	ssyncadd.s32 $0xFFFFE0C0  }
0x36: {  	[tilespmem:s17], [sflag:$0x1] =	stream.indirect.gather [hbm4b:s1+s16], $0x40, s31, s16, $0xb8;
	[tilespmem:$0x1E960] =	vst v63  }
0x37: {  	_ =	swait.ge [sflag:s24], $0x7D00  }
0x38: {  	[sflag:s24] =	ssyncset.done $0x0  }
0x39: {  	s2 =	simm.s32 $0x2960;
	[sflag:s24] =	ssyncadd.s32 $0xFFFF8300  }
0x3a: {  	[spmem:s3] =	stream.indirect.scatter.add.f32 [tilespmem:s19], [sflag:$0x3], $0x40, s2, s20, $0xb8;
	[tilespmem:$0x1E960] =	vst v63  }
0x3b: {  	_ =	swait.ge [sflag:s13], $0x1F40  }
0x3c: {  	[sflag:s13] =	ssyncset.done $0x0  }
0x3d: {  	s31 =	simm.s32 $0x29E0;
	[sflag:s13] =	ssyncadd.s32 $0xFFFFE0C0  }
0x3e: {  	[spmem:s3] =	stream.indirect.scatter.add.f32 [tilespmem:s25], [sflag:$0x3], $0x40, s31, s20, $0xb8;
	[tilespmem:$0x1E960] =	vst v63  }
0x3f: {  	_ =	swait.ge [sflag:s13], $0x1F40  }
0x40: {  	[sflag:s13] =	ssyncset.done $0x0  }
0x41: {  	s2 =	simm.s32 $0x2A60;
	[sflag:s13] =	ssyncadd.s32 $0xFFFFE0C0  }
0x42: {  	[spmem:s3] =	stream.indirect.scatter.add.f32 [tilespmem:s26], [sflag:$0x3], $0x40, s2, s20, $0xb8;
	[tilespmem:$0x1E960] =	vst v63  }
0x43: {  	_ =	swait.ge [sflag:s13], $0x1F40  }
0x44: {  	[sflag:s13] =	ssyncset.done $0x0  }
0x45: {  	s31 =	simm.s32 $0x2AE0;
	[sflag:s13] =	ssyncadd.s32 $0xFFFFE0C0  }
0x46: {  	[spmem:s3] =	stream.indirect.scatter.add.f32 [tilespmem:s28], [sflag:$0x3], $0x40, s31, s20, $0xb8;
	[tilespmem:$0x1E960] =	vst v63  }
0x47: {  	_ =	swait.ge [sflag:s13], $0x1F40  }
0x48: {  	s29 =	simm.s32 $0x1000;
	[sflag:s13] =	ssyncset.done $0x0  }
0x49: {  	s30 =	simm.s32 $0x9D8;
	s14 =	simm.s32 $0x5E8;
	[sflag:s13] =	ssyncadd.s32 $0xFFFFE0C0  }
.LBB2_2:
0x4a: {  	[tilespmem:s19], [sflag:$0x2] =	stream.indirect.gather [hbm4b:s1+s16], $0x40, s14, s16, $0xb8;
	[tilespmem:$0x1E960] =	vst v63  }
0x4b: {  	s31 =	smov.u32 s29;
	s14 =	smov.u32 s30  }
0x4c: {  	p0 =	sne.s32 s29, $0x8000;
	s29 =	sadd.s32 $0x1000, s29;
	_ =	swait.ge [sflag:s15], $0x7D00  }
0x4d: {  	s31 =	sshra.s32 s31, $0x2;
	[sflag:s15] =	ssyncset.done $0x0  }
0x4e: {  	s2 =	sadd.s32 $0x2760, s31;
	[sflag:s15] =	ssyncadd.s32 $0xFFFF8300  }
0x4f: {  	[spmem:s3] =	stream.indirect.scatter.add.f32 [tilespmem:s17], [sflag:$0x3], $0x40, s2, s20, $0xb8;
	[tilespmem:$0x1E960] =	vst v63  }
0x50: {  	_ =	swait.ge [sflag:s13], $0x1F40  }
0x51: {  	[sflag:s13] =	ssyncset.done $0x0  }
0x52: {  	s2 =	sadd.s32 $0x27E0, s31;
	[sflag:s13] =	ssyncadd.s32 $0xFFFFE0C0  }
0x53: {  	[spmem:s3] =	stream.indirect.scatter.add.f32 [tilespmem:s21], [sflag:$0x3], $0x40, s2, s20, $0xb8;
	[tilespmem:$0x1E960] =	vst v63  }
0x54: {  	_ =	swait.ge [sflag:s13], $0x1F40  }
0x55: {  	[sflag:s13] =	ssyncset.done $0x0  }
0x56: {  	s2 =	sadd.s32 $0x2860, s31;
	[sflag:s13] =	ssyncadd.s32 $0xFFFFE0C0  }
0x57: {  	[spmem:s3] =	stream.indirect.scatter.add.f32 [tilespmem:s22], [sflag:$0x3], $0x40, s2, s20, $0xb8;
	[tilespmem:$0x1E960] =	vst v63  }
0x58: {  	_ =	swait.ge [sflag:s13], $0x1F40  }
0x59: {  	[sflag:s13] =	ssyncset.done $0x0  }
0x5a: {  	s2 =	sadd.s32 $0x28E0, s31;
	[sflag:s13] =	ssyncadd.s32 $0xFFFFE0C0  }
0x5b: {  	[spmem:s3] =	stream.indirect.scatter.add.f32 [tilespmem:s23], [sflag:$0x3], $0x40, s2, s20, $0xb8;
	[tilespmem:$0x1E960] =	vst v63  }
0x5c: {  	_ =	swait.ge [sflag:s13], $0x1F40  }
0x5d: {  	[sflag:s13] =	ssyncset.done $0x0  }
0x5e: {  	s2 =	sadd.s32 $0xFFFFFE08, s30;
	[sflag:s13] =	ssyncadd.s32 $0xFFFFE0C0  }
0x5f: {  	[tilespmem:s17], [sflag:$0x1] =	stream.indirect.gather [hbm4b:s1+s16], $0x40, s2, s16, $0xb8;
	[tilespmem:$0x1E960] =	vst v63  }
0x60: {  	_ =	swait.ge [sflag:s24], $0x7D00  }
0x61: {  	[sflag:s24] =	ssyncset.done $0x0  }
0x62: {  	s2 =	sadd.s32 $0x2960, s31;
	[sflag:s24] =	ssyncadd.s32 $0xFFFF8300  }
0x63: {  	[spmem:s3] =	stream.indirect.scatter.add.f32 [tilespmem:s19], [sflag:$0x3], $0x40, s2, s20, $0xb8;
	[tilespmem:$0x1E960] =	vst v63  }
0x64: {  	_ =	swait.ge [sflag:s13], $0x1F40  }
0x65: {  	[sflag:s13] =	ssyncset.done $0x0  }
0x66: {  	s2 =	sadd.s32 $0x29E0, s31;
	[sflag:s13] =	ssyncadd.s32 $0xFFFFE0C0  }
0x67: {  	[spmem:s3] =	stream.indirect.scatter.add.f32 [tilespmem:s25], [sflag:$0x3], $0x40, s2, s20, $0xb8;
	[tilespmem:$0x1E960] =	vst v63  }
0x68: {  	_ =	swait.ge [sflag:s13], $0x1F40  }
0x69: {  	[sflag:s13] =	ssyncset.done $0x0  }
0x6a: {  	s2 =	sadd.s32 $0x2A60, s31;
	[sflag:s13] =	ssyncadd.s32 $0xFFFFE0C0  }
0x6b: {  	[spmem:s3] =	stream.indirect.scatter.add.f32 [tilespmem:s26], [sflag:$0x3], $0x40, s2, s20, $0xb8;
	[tilespmem:$0x1E960] =	vst v63  }
0x6c: {  	_ =	swait.ge [sflag:s13], $0x1F40  }
0x6d: {  	[sflag:s13] =	ssyncset.done $0x0  }
.Ltmp0:
0x6e: {  	s2 =	sadd.s32 $0x2AE0, s31;
	[sflag:s13] =	ssyncadd.s32 $0xFFFFE0C0;
	(pc) =	sbr.rel @p0 .LBB2_2-.Ltmp0, $4  }
0x6f: {  	[spmem:s3] =	stream.indirect.scatter.add.f32 [tilespmem:s28], [sflag:$0x3], $0x40, s2, s20, $0xb8;
	[tilespmem:$0x1E960] =	vst v63  }
0x70: {  	_ =	swait.ge [sflag:s13], $0x1F40  }
0x71: {  	[sflag:s13] =	ssyncset.done $0x0  }
0x72: {  	s30 =	sadd.s32 $0x3F0, s30;
	[sflag:s13] =	ssyncadd.s32 $0xFFFFE0C0  }
0x73: {  	[tilespmem:s19], [sflag:$0x2] =	stream.indirect.gather [hbm4b:s1+s16], $0x40, s14, s16, $0xb8;
	[tilespmem:$0x1E960] =	vst v63  }
0x74: {  	_ =	swait.ge [sflag:s15], $0x7D00  }
0x75: {  	[sflag:s15] =	ssyncset.done $0x0  }
0x76: {  	s2 =	simm.s32 $0x4B60;
	[sflag:s15] =	ssyncadd.s32 $0xFFFF8300  }
0x77: {  	[spmem:s3] =	stream.indirect.scatter.add.f32 [tilespmem:s17], [sflag:$0x3], $0x40, s2, s20, $0xb8;
	[tilespmem:$0x1E960] =	vst v63  }
0x78: {  	_ =	swait.ge [sflag:s13], $0x1F40  }
0x79: {  	[sflag:s13] =	ssyncset.done $0x0  }
0x7a: {  	s31 =	simm.s32 $0x4BE0;
	[sflag:s13] =	ssyncadd.s32 $0xFFFFE0C0  }
0x7b: {  	[spmem:s3] =	stream.indirect.scatter.add.f32 [tilespmem:s21], [sflag:$0x3], $0x40, s31, s20, $0xb8;
	[tilespmem:$0x1E960] =	vst v63  }
0x7c: {  	_ =	swait.ge [sflag:s13], $0x1F40  }
0x7d: {  	[sflag:s13] =	ssyncset.done $0x0  }
0x7e: {  	s14 =	simm.s32 $0x4C60;
	[sflag:s13] =	ssyncadd.s32 $0xFFFFE0C0  }
0x7f: {  	[spmem:s3] =	stream.indirect.scatter.add.f32 [tilespmem:s22], [sflag:$0x3], $0x40, s14, s20, $0xb8;
	[tilespmem:$0x1E960] =	vst v63  }
0x80: {  	_ =	swait.ge [sflag:s13], $0x1F40  }
0x81: {  	[sflag:s13] =	ssyncset.done $0x0  }
0x82: {  	s29 =	simm.s32 $0x4CE0;
	[sflag:s13] =	ssyncadd.s32 $0xFFFFE0C0  }
0x83: {  	[spmem:s3] =	stream.indirect.scatter.add.f32 [tilespmem:s23], [sflag:$0x3], $0x40, s29, s20, $0xb8;
	[tilespmem:$0x1E960] =	vst v63  }
0x84: {  	_ =	swait.ge [sflag:s13], $0x1F40  }
0x85: {  	[sflag:s13] =	ssyncset.done $0x0  }
0x86: {  	[sflag:s13] =	ssyncadd.s32 $0xFFFFE0C0  }
0x87: {  	[tilespmem:s17], [sflag:$0x1] =	stream.indirect.gather [hbm4b:s1+s16], $0x40, s4, s16, $0xb8;
	[tilespmem:$0x1E960] =	vst v63  }
0x88: {  	_ =	swait.ge [sflag:s24], $0x7D00  }
0x89: {  	[sflag:s24] =	ssyncset.done $0x0  }
0x8a: {  	s30 =	simm.s32 $0x4D60;
	[sflag:s24] =	ssyncadd.s32 $0xFFFF8300  }
0x8b: {  	[spmem:s3] =	stream.indirect.scatter.add.f32 [tilespmem:s19], [sflag:$0x3], $0x40, s30, s20, $0xb8;
	[tilespmem:$0x1E960] =	vst v63  }
0x8c: {  	_ =	swait.ge [sflag:s13], $0x1F40  }
0x8d: {  	[sflag:s13] =	ssyncset.done $0x0  }
0x8e: {  	s31 =	simm.s32 $0x4DE0;
	[sflag:s13] =	ssyncadd.s32 $0xFFFFE0C0  }
0x8f: {  	[spmem:s3] =	stream.indirect.scatter.add.f32 [tilespmem:s25], [sflag:$0x3], $0x40, s31, s20, $0xb8;
	[tilespmem:$0x1E960] =	vst v63  }
0x90: {  	_ =	swait.ge [sflag:s13], $0x1F40  }
0x91: {  	[sflag:s13] =	ssyncset.done $0x0  }
0x92: {  	s14 =	simm.s32 $0x4E60;
	[sflag:s13] =	ssyncadd.s32 $0xFFFFE0C0  }
0x93: {  	[spmem:s3] =	stream.indirect.scatter.add.f32 [tilespmem:s26], [sflag:$0x3], $0x40, s14, s20, $0xb8;
	[tilespmem:$0x1E960] =	vst v63  }
0x94: {  	_ =	swait.ge [sflag:s13], $0x1F40  }
0x95: {  	[sflag:s13] =	ssyncset.done $0x0  }
0x96: {  	s29 =	simm.s32 $0x4EE0;
	[sflag:s13] =	ssyncadd.s32 $0xFFFFE0C0  }
0x97: {  	[spmem:s3] =	stream.indirect.scatter.add.f32 [tilespmem:s28], [sflag:$0x3], $0x40, s29, s20, $0xb8;
	[tilespmem:$0x1E960] =	vst v63  }
0x98: {  	_ =	swait.ge [sflag:s13], $0x1F40  }
0x99: {  	[sflag:s13] =	ssyncset.done $0x0  }
0x9a: {  	[sflag:s13] =	ssyncadd.s32 $0xFFFFE0C0  }
0x9b: {  	[tilespmem:s19], [sflag:$0x2] =	stream.indirect.gather [hbm4b:s1+s16], $0x40, s18, s16, $0xb8;
	[tilespmem:$0x1E960] =	vst v63  }
0x9c: {  	_ =	swait.ge [sflag:s15], $0x7D00  }
0x9d: {  	[sflag:s15] =	ssyncset.done $0x0  }
0x9e: {  	[sflag:s15] =	ssyncadd.s32 $0xFFFF8300  }
0x9f: {  	s0 =	sadd.s32 $0x1, s0;
	_ =	swait.ge [sflag:s24], $0x7D00  }
0xa0: {  	p0 =	sne.s32 s0, s11;
	[sflag:s24] =	ssyncset.done $0x0  }
0xa1: {  	s30 =	sor.u32 $0x1C03, s5;
	s31 =	simm.s32 $0x10;
	[sflag:s24] =	ssyncadd.s32 $0xFFFF8300  }
.Ltmp1:
0xa2: {  	s29 =	simm.s32 $0x8;
	[bflag:$0x0] =	sbarrier.arrive $0xFFFF;
	(pc) =	sbr.rel @p0 .LBB2_1-.Ltmp1, $4  }
0xa3: {  	[hbm:s10@s31], [sflag:s30] =	dma.strided [spmem:s12@s29], $0x1400, s15, $0x8   }
0xa4: {  	_ =	swait.ge [sflag:s13], $0x1400  }
0xa5: {  	[sflag:s13] =	ssyncset.done $0x0  }
0xa6: {  	[sflag:s13] =	ssyncadd.s32 $0xFFFFEC00  }
0xa7: {  	_ =	sfence.sel $0x180000  }
0xa8: {  	[bflag:$0x0] =	sbarrier.arrive $0xFFFF  }
0xa9: {  	_ =	strace $0x9000004A  }
0xaa: {  	s0 =	stileid.u32;
	[bflag:$0x2] =	sbarrier.arrive $0xFFFF  }
0xab: {  	p0 =	sne.s32 s0, $0x0;
	s0 =	rddreg [dreg:$0x3]  }
0xac: {  	s0 =	sadd.s32 @!p0 $0x100000, s0  }
0xad: {  	[sflag:s0] =	ssyncadd.tile.s32 @!p0 $0x1;
	_ =	shalt  }
.Lfunc_end2:
_tile_overlayer_lowered:
.L_overlay_start_2:
0xae: {  	(tag) =	ssettag $0x2  }
0xaf: {  	s0 =	rddreg [dreg:$0x0];
	s2 =	stileid.u32  }
0xb0: {  	s1 =	rddreg [dreg:$0x1];
	p0 =	sne.s32 s2, $0x0  }
0xb1: {  	s3 =	rddreg [dreg:$0x2];
	[bflag:$0x3] =	sbarrier.arrive $0xFFFF;
	s2 =	simm.s32 @!p0 $0x1C03  }
0xb2: {  	[timem:s3], [sflag:s2] =	dma.local @!p0 [hbm:s0], s1  }
0xb3: {  	s0 =	simm.s32 @!p0 $0x3  }
0xb4: {  	_ =	swait.ge @!p0 [sflag:s0], s1  }
0xb5: {  	s1 =	ssub.s32 @!p0 $0x0, s1;
	[sflag:s0] =	ssyncset.done @!p0 $0x0  }
0xb6: {  	[sflag:s0] =	ssyncadd.s32 @!p0 s1  }
0xb7: {  	[bflag:$0x3] =	sbarrier.arrive $0xFFFF  }
0xb8: {  	_ =	shalt  }

// kernel: kernel.14.cloned.1.call-start
scs
__scs_entry_jumppad:
0x0: {  	(pc) =	sbr.rel $0x88, $3  }
0x1: {  	(tag) =	ssettag $0x0;
	lr =	simm.s32 $0x1  }
0x2: {  	[smem:$0x3F9B] =	sst lr;
	_ =	strace $0xD0000000  }
0x3: {  	_ = 	snop  }
0x4: {  	_ = 	snop  }
0x5: {  	_ = 	snop  }
0x6: {  	_ = 	snop  }
0x7: {  	_ = 	snop  }
__scs_overlays_trampoline_lowered:
0x8: {  	[smem:$0x3FAA] =	sst s0  }
0x9: {  	[smem:$0x3FAB] =	sst s1  }
0xa: {  	[smem:$0x3FAC] =	sst s2  }
0xb: {  	[smem:$0x3FAD] =	sst s3  }
0xc: {  	[smem:$0x3FAE] =	sst s4  }
0xd: {  	[smem:$0x3FAF] =	sst s5  }
0xe: {  	[smem:$0x3FB0] =	sst s6  }
0xf: {  	[smem:$0x3FB1] =	sst s7  }
0x10: {  	[smem:$0x3FB2] =	sst s8  }
0x11: {  	[smem:$0x3FB3] =	sst s9;
	s0 =	simm.s32 @!p0 $0x0  }
0x12: {  	s1 =	sld [smem:$0x3F99];
	s0 =	simm.s32 @p0 $0x1  }
0x13: {  	[smem:$0x3FB4] =	sst s0;
	s0 =	simm.s32 @!p1 $0x0  }
0x14: {  	s2 =	sld [smem:$0x3F98];
	s0 =	simm.s32 @p1 $0x1  }
0x15: {  	[smem:$0x3FB5] =	sst s0;
	s0 =	simm.s32 @!p2 $0x0  }
0x16: {  	s3 =	sld [smem:$0x3FDB];
	s0 =	simm.s32 @p2 $0x1  }
0x17: {  	s4 =	simm.s32 $0x1BF5;
	[smem:$0x3FB7] =	sst s0  }
0x18: {  	s0 =	sld [smem:$0x3F9A];
	_ =	swait.ge [sflag:s4], $0x0  }
0x19: {  	s7 =	sld [smem:$0x3F9B]  }
0x1a: {  	s8 =	sadd.s32 $0xFFFFE003, lr  }
0x1b: {  	s9 =	sadd.s32 $0xFFFFFEF7, lr;
	s5 =	simm.s32 $0xFFFFFFFF;
	p2 =	slt.u32 s8, $0xFFFFF086  }
0x1c: {  	p1 =	slt.u32 s9, $0xF7A;
	s5 =	simm.s32 @!p2 $0x0  }
0x1d: {  	s5 =	simm.s32 @p1 $0x1;
	p0 =	seq.s32 s7, s2  }
0x1e: {  	s7 =	smul.u32 @!p0 $0xF7A, s2;
	p2 =	seq.s32 @!p0 s5, $0x0  }
0x1f: {  	s9 =	smul.u32 $0xF7A, s1;
	s8 =	simm.s32 @!p0 $0x1BF5;
	p2 =	por !p2, p0  }
0x20: {  	[sflag:s8] =	ssyncset.s32 @!p0 $0xFFFFF086;
	s6 =	sadd.s32 @!p0 s3, s7;
	s7 =	simm.s32 @!p0 $0x108  }
0x21: {  	s3 =	sadd.s32 s3, s9;
	s6 =	sadd.s32 @!p0 $0x88, s6;
	s7 =	simm.s32 @p2 $0x1082  }
0x22: {  	[simem:s7], [sflag:s8] =	dma.local @!p0 [hbm:s6], $0xF7A  }
0x23: {  	s9 =	sor.u32 $0xD0000000, s2;
	s6 =	simm.s32 $0x108;
	_ =	swait.ge @!p0 [sflag:s8], $0x0  }
0x24: {  	s3 =	sadd.s32 $0x88, s3;
	s6 =	simm.s32 @!p1 $0x1082;
	[sflag:s4] =	ssyncset.s32 $0xFFFFF086  }
0x25: {  	[simem:s6], [sflag:s4] =	dma.local [hbm:s3], $0xF7A  }
0x26: {  	[smem:$0x3F9B] =	sst s1;
	(tag) =	ssettag s2;
	_ =	strace s9  }
0x27: {  	s1 =	sld [smem:$0x3FAB]  }
0x28: {  	s2 =	sld [smem:$0x3FAC]  }
0x29: {  	s4 =	sld [smem:$0x3FAE]  }
0x2a: {  	p0 =	seq.s32 s5, $0x0;
	s5 =	sld [smem:$0x3FAF]  }
0x2b: {  	s6 =	sld [smem:$0x3FB0]  }
0x2c: {  	s7 =	sld [smem:$0x3FB1]  }
0x2d: {  	s3 =	simm.s32 $0x108;
	s8 =	sld [smem:$0x3FB2]  }
0x2e: {  	s3 =	simm.s32 @!p0 $0x1082;
	s9 =	sld [smem:$0x3FB3]  }
0x2f: {  	lr =	sadd.s32 s0, s3;
	s0 =	sld [smem:$0x3FAA]  }
0x30: {  	s3 =	sld [smem:$0x3FAD]  }
0x31: {  	[smem:$0x3FB6] =	sst s10  }
0x32: {  	s10 =	sld [smem:$0x3FB4];
	_ =	sdelay $0x3  }
0x33: {  	p0 =	seq.s32 s10, $0x1;
	s10 =	sld [smem:$0x3FB6];
	_ =	sdelay $0x3  }
0x34: {  	[smem:$0x3FB6] =	sst s10  }
0x35: {  	s10 =	sld [smem:$0x3FB5];
	_ =	sdelay $0x3  }
0x36: {  	p1 =	seq.s32 s10, $0x1;
	s10 =	sld [smem:$0x3FB6];
	_ =	sdelay $0x3  }
0x37: {  	[smem:$0x3FB6] =	sst s10  }
0x38: {  	s10 =	sld [smem:$0x3FB7]  }
0x39: {  	_ = 	snop;
	(pc) =	sbr.ind lr, $3  }
0x3a: {  	_ = 	snop  }
0x3b: {  	_ = 	snop  }
0x3c: {  	p2 =	seq.s32 s10, $0x1;
	s10 =	sld [smem:$0x3FB6]  }
0x3d: {  	_ =	shalt  }
0x3e: {  	_ =	shalt  }
0x3f: {  	_ =	shalt  }
0x40: {  	_ =	shalt  }
0x41: {  	_ =	shalt  }
0x42: {  	_ =	shalt  }
0x43: {  	_ =	shalt  }
0x44: {  	_ =	shalt  }
0x45: {  	_ =	shalt  }
0x46: {  	_ =	shalt  }
0x47: {  	_ =	shalt  }
0x48: {  	_ =	shalt  }
0x49: {  	_ =	shalt  }
0x4a: {  	_ =	shalt  }
0x4b: {  	_ =	shalt  }
0x4c: {  	_ =	shalt  }
0x4d: {  	_ =	shalt  }
0x4e: {  	_ =	shalt  }
0x4f: {  	_ =	shalt  }
0x50: {  	_ =	shalt  }
0x51: {  	_ =	shalt  }
0x52: {  	_ =	shalt  }
0x53: {  	_ =	shalt  }
0x54: {  	_ =	shalt  }
0x55: {  	_ =	shalt  }
0x56: {  	_ =	shalt  }
0x57: {  	_ =	shalt  }
0x58: {  	_ =	shalt  }
0x59: {  	_ =	shalt  }
0x5a: {  	_ =	shalt  }
0x5b: {  	_ =	shalt  }
0x5c: {  	_ =	shalt  }
0x5d: {  	_ =	shalt  }
0x5e: {  	_ =	shalt  }
0x5f: {  	_ =	shalt  }
0x60: {  	_ =	shalt  }
0x61: {  	_ =	shalt  }
0x62: {  	_ =	shalt  }
0x63: {  	_ =	shalt  }
0x64: {  	_ =	shalt  }
0x65: {  	_ =	shalt  }
0x66: {  	_ =	shalt  }
0x67: {  	_ =	shalt  }
0x68: {  	_ =	shalt  }
0x69: {  	_ =	shalt  }
0x6a: {  	_ =	shalt  }
0x6b: {  	_ =	shalt  }
0x6c: {  	_ =	shalt  }
0x6d: {  	_ =	shalt  }
0x6e: {  	_ =	shalt  }
0x6f: {  	_ =	shalt  }
0x70: {  	_ =	shalt  }
0x71: {  	_ =	shalt  }
0x72: {  	_ =	shalt  }
0x73: {  	_ =	shalt  }
0x74: {  	_ =	shalt  }
0x75: {  	_ =	shalt  }
0x76: {  	_ =	shalt  }
0x77: {  	_ =	shalt  }
0x78: {  	_ =	shalt  }
0x79: {  	_ =	shalt  }
0x7a: {  	_ =	shalt  }
0x7b: {  	_ =	shalt  }
0x7c: {  	_ =	shalt  }
0x7d: {  	_ =	shalt  }
0x7e: {  	_ =	shalt  }
0x7f: {  	_ =	shalt  }
0x80: {  	_ =	shalt  }
0x81: {  	_ =	shalt  }
0x82: {  	_ =	shalt  }
0x83: {  	_ =	shalt  }
0x84: {  	_ =	shalt  }
0x85: {  	_ =	shalt  }
0x86: {  	_ =	shalt  }
0x87: {  	_ =	shalt  }
.Lfunc_end0:
.L_simem_size_0:
called_computation.2_lowered:
.L_overlay_start_0:
0x88: {  	s2 =	sld [smem:$0x3FD9]  }
0x89: {  	s3 =	sld [smem:$0x3FFE];
	_ =	sdelay $0x1  }
0x8a: {  	s1 =	srdreg.scid  }
0x8b: {  	s0 =	sand.u32 $0x1, s1  }
0x8c: {  	s17 =	sshll.u32 s0, $0xA;
	s2 =	sadd.s32 s3, s2  }
0x8d: {  	s2 =	sadd.s32 s2, s17  }
0x8e: {  	[smem:$0x3FC2] =	sst s2  }
0x8f: {  	_ = 	snop  }
0x90: {  	s2 =	sld [smem:$0x3FD0];
	(tm) =	ssettm $0x1  }
0x91: {  	s18 =	sld [smem:$0x3FFB];
	_ =	sdelay $0x3  }
0x92: {  	_ =	strace s18  }
0x93: {  	s3 =	sld [smem:$0x3FFC];
	_ =	sdelay $0x3  }
0x94: {  	_ =	strace s3  }
0x95: {  	s3 =	sld [smem:$0x3FFD];
	_ =	sdelay $0x3  }
0x96: {  	_ =	strace s3  }
0x97: {  	_ =	strace $0x8FFFFFFF  }
0x98: {  	s19 =	sld [smem:$0x3FDB];
	_ =	sdelay $0x1  }
0x99: {  	s4 =	simm.s32 $_scs_section_size  }
0x9a: {  	s5 =	simm.s32 $_size__tile_overlayer_lowered;
	s6 =	simm.s32 $_tile_overlayer_lowered  }
0x9b: {  	s22 =	simm.s32 $0x1BFF;
	s21 =	sshll.u32 s6, $0x1;
	s3 =	sadd.s32 s4, s19  }
0x9c: {  	s7 =	simm.s32 $0x0;
	s20 =	sshll.u32 s5, $0x1;
	s5 =	sadd.s32 s21, s3  }
0x9d: {  	[timem:s7], [sflag:s22] =	dma.local [hbm:s5], s20  }
0x9e: {  	_ =	swait.ge [sflag:s22], s20  }
0x9f: {  	s4 =	ssub.s32 $0x0, s20;
	[sflag:s22] =	ssyncset.done $0x0  }
0xa0: {  	[sflag:s22] =	ssyncadd.s32 s4;
	_ =	sdelay $0x1  }
0xa1: {  	s23 =	simm.s32 $0x1B8B  }
0xa2: {  	_ =	swait.ge [sflag:s23], $0x1  }
0xa3: {  	[sflag:s23] =	ssyncset.done $0x0  }
0xa4: {  	s25 =	simm.s32 $0x1B8E;
	s24 =	sld [smem:$0x3FFE];
	[sflag:s23] =	ssyncadd.s32 $0xFFFFFFFF  }
0xa5: {  	s26 =	simm.s32 $execute0_lowered;
	[smem:$0x3FD2] =	sst s25  }
0xa6: {  	s5 =	sshll.u32 s26, $0x1;
	_ =	strace $0x8000004C;
	[dreg:$0x1] =	wrdreg $0xFFFFFFFF  }
0xa7: {  	s28 =	simm.s32 $_size_execute0_lowered;
	s3 =	sadd.s32 s3, s5;
	[dreg:$0x0] =	wrdreg $0x0  }
0xa8: {  	s5 =	sshll.u32 s28, $0x1;
	[dreg:$0x2] =	wrdreg s3  }
0xa9: {  	[dreg:$0x3] =	wrdreg s5  }
0xaa: {  	[dreg:$0x4] =	wrdreg $0xC0  }
0xab: {  	_ =	task [dreg:s7], $0x5FFFF  }
0xac: {  	[dreg:$0x1] =	wrdreg $0xFFFFFFFF  }
0xad: {  	[dreg:$0x0] =	wrdreg $0x60  }
0xae: {  	[dreg:$0x2] =	wrdreg s2  }
0xaf: {  	[dreg:$0x3] =	wrdreg s24  }
0xb0: {  	[dreg:$0x4] =	wrdreg $0x149600  }
0xb1: {  	[dreg:$0x5] =	wrdreg $0x9  }
0xb2: {  	_ =	task.clear_ibuf [dreg:s7], $0x6FFFF;
	_ =	strace $0x9000004C  }
0xb3: {  	s29 =	simm.s32 $0x9;
	_ =	strace $0x8000004E  }
0xb4: {  	_ =	swait.ge [sflag:s29], $0x1  }
0xb5: {  	[sflag:s29] =	ssyncadd.s32 $0xFFFFFFFF  }
0xb6: {  	_ =	strace $0x9000004E  }
0xb7: {  	_ =	sfence  }
0xb8: {  	s30 =	sld [smem:$0x0];
	_ =	sdelay $0x2  }
0xb9: {  	s31 =	sshll.u32 s1, $0xD;
	s1 =	sshrl.u32 s1, $0x2  }
0xba: {  	s3 =	sand.u32 $0x4000, s31;
	s1 =	sadd.s32 s1, s30  }
0xbb: {  	s0 =	sor.u32 s3, s0;
	s1 =	sshll.u32 s1, $0x11  }
0xbc: {  	s0 =	sor.u32 s1, s0  }
0xbd: {  	s0 =	sadd.s32 $0x8F2B, s0  }
0xbe: {  	[sflag:s0] =	ssyncadd.remote.s32 $0x1  }
0xbf: {  	_ =	sfence.sel $0xFFFF  }
0xc0: {  	[dreg:$0x0] =	wrdreg $0xFFFFFFFF;
	(pc) =	sbr.abs _section_cstart, $3  }
0xc1: {  	[dreg:$0x1] =	wrdreg $0xFFFFFFFF  }
0xc2: {  	_ =	task.clear_ibuf [dreg:s7], $0x2FFFF;
	_ =	strace $0x9FFFFFFF  }
0xc3: {  	(tm) =	ssettm $0x7FFFFFFF  }
tec
execute0_lowered:
.L_overlay_start_1:
0x0: {  	(tag) =	ssettag $0x1  }
0x1: {  	s1 =	rddreg [dreg:$0x0]  }
0x2: {  	s0 =	srdreg.scid;
	s5 =	rddreg [dreg:$0x1]  }
0x3: {  	s13 =	stileid.u32;
	s3 =	rddreg [dreg:$0x2]  }
0x4: {  	s4 =	simm.s32 $0x0;
	s15 =	simm.s32 $0x1;
	s16 =	simm.s32 $0x1F4  }
0x5: {  	s17 =	simm.s32 $0x4F60;
	s18 =	simm.s32 $0x1F8;
	s19 =	simm.s32 $0xCC60  }
0x6: {  	s20 =	simm.s32 $0x7D;
	s21 =	simm.s32 $0x6EA0;
	s22 =	simm.s32 $0x8DE0  }
0x7: {  	s23 =	simm.s32 $0xAD20;
	s24 =	simm.s32 $0x2;
	s25 =	simm.s32 $0xEBA0  }
0x8: {  	s26 =	simm.s32 $0x10AE0;
	s28 =	simm.s32 $0x12A20;
	s7 =	smul.u32 $0x14000, s13  }
0x9: {  	s0 =	sand.u32 $0x1, s0;
	[smem:$0x7FF] =	sst s4;
	s8 =	smul.u32 $0xA000, s13  }
0xa: {  	s2 =	sshll.u32 s0, $0x4;
	_ =	strace $0x8000004D;
	s9 =	sshll.u32 s0, $0x6  }
0xb: {  	s0 =	ssub.s32 $0x2, s0;
	s2 =	sor.u32 s13, s2;
	s29 =	sor.u32 s9, s7  }
0xc: {  	s30 =	sshrl.u32 s8, $0x3;
	s31 =	sshrl.u32 s0, $0x1;
	s6 =	smul.u32 $0x4EC, s2  }
0xd: {  	s12 =	sadd.s32 s8, s3;
	s2 =	smul.u32 $0x500, s2;
	s7 =	sadd.s32 s30, s5  }
0xe: {  	s0 =	ssub.s32 s0, s31;
	s10 =	sadd.s32 s6, s5;
	s6 =	sshrl.u32 s29, $0x3  }
0xf: {  	s12 =	sshrl.u32 s12, $0x3;
	s2 =	sadd.s32 s2, s5;
	s11 =	sadd.s32 s6, s5  }
0x10: {  	s5 =	sshll.u32 s13, $0x6;
	s6 =	sadd.s32 $0x3E600, s7;
	s8 =	sadd.s32 $0x34800, s10  }
0x11: {  	s9 =	sadd.s32 $0x2600, s2;
	s13 =	simm.s32 $0x3;
	s7 =	sor.u32 $0x1C01, s5  }
0x12: {  	s10 =	sadd.s32 $0xC600, s11;
	s11 =	smax.u32 s0, $0x1;
	s0 =	simm.s32 $0x0  }
.LBB2_1:
0x13: {  	[spmem:s12], [sflag:s7] =	dma.local [hbm:s6], $0x1400  }
0x14: {  	[tilespmem:s4], [sflag:$0x3] =	stream.linear.gather [hbm4b:s8+s4], $0x2760, $0x38;
	[tilespmem:$0x1E960] =	vst v63  }
0x15: {  	_ =	swait.ge [sflag:s13], $0x2760  }
0x16: {  	[sflag:s13] =	ssyncset.done $0x0  }
0x17: {  	s2 =	simm.s32 $0x2760;
	[sflag:s13] =	ssyncadd.s32 $0xFFFFD8A0  }
0x18: {  	[tilespmem:s2], [sflag:$0x3] =	stream.linear.gather [hbm4b:s9+s4], $0x2800, $0x38;
	[tilespmem:$0x1E960] =	vst v63  }
0x19: {  	_ =	swait.ge [sflag:s13], $0x2800  }
0x1a: {  	[sflag:s13] =	ssyncset.done $0x0  }
0x1b: {  	[sflag:s13] =	ssyncadd.s32 $0xFFFFD800  }
0x1c: {  	_ =	swait.ge [sflag:s15], $0x1400  }
0x1d: {  	[sflag:s15] =	ssyncset.done $0x0  }
0x1e: {  	[sflag:s15] =	ssyncadd.s32 $0xFFFFEC00  }
0x1f: {  	[bflag:$0x0] =	sbarrier.arrive $0xFFFF  }
0x20: {  	[tilespmem:s17], [sflag:$0x1] =	stream.indirect.gather [hbm4b:s1+s16], $0x40, s4, s16, $0xb8;
	[tilespmem:$0x1E960] =	vst v63  }
0x21: {  	_ = 	snop  }
0x22: {  	[tilespmem:s19], [sflag:$0x2] =	stream.indirect.gather [hbm4b:s1+s16], $0x40, s18, s16, $0xb8;
	[tilespmem:$0x1E960] =	vst v63  }
0x23: {  	_ =	swait.ge [sflag:s15], $0x7D00  }
0x24: {  	[sflag:s15] =	ssyncset.done $0x0  }
0x25: {  	s14 =	simm.s32 $0x2760;
	[sflag:s15] =	ssyncadd.s32 $0xFFFF8300  }
0x26: {  	[spmem:s3] =	stream.indirect.scatter.add.f32 [tilespmem:s17], [sflag:$0x3], $0x40, s14, s20, $0xb8;
	[tilespmem:$0x1E960] =	vst v63  }
0x27: {  	_ =	swait.ge [sflag:s13], $0x1F40  }
0x28: {  	[sflag:s13] =	ssyncset.done $0x0  }
0x29: {  	s2 =	simm.s32 $0x27E0;
	[sflag:s13] =	ssyncadd.s32 $0xFFFFE0C0  }
0x2a: {  	[spmem:s3] =	stream.indirect.scatter.add.f32 [tilespmem:s21], [sflag:$0x3], $0x40, s2, s20, $0xb8;
	[tilespmem:$0x1E960] =	vst v63  }
0x2b: {  	_ =	swait.ge [sflag:s13], $0x1F40  }
0x2c: {  	[sflag:s13] =	ssyncset.done $0x0  }
0x2d: {  	s31 =	simm.s32 $0x2860;
	[sflag:s13] =	ssyncadd.s32 $0xFFFFE0C0  }
0x2e: {  	[spmem:s3] =	stream.indirect.scatter.add.f32 [tilespmem:s22], [sflag:$0x3], $0x40, s31, s20, $0xb8;
	[tilespmem:$0x1E960] =	vst v63  }
0x2f: {  	_ =	swait.ge [sflag:s13], $0x1F40  }
0x30: {  	[sflag:s13] =	ssyncset.done $0x0  }
0x31: {  	s2 =	simm.s32 $0x28E0;
	[sflag:s13] =	ssyncadd.s32 $0xFFFFE0C0  }
0x32: {  	[spmem:s3] =	stream.indirect.scatter.add.f32 [tilespmem:s23], [sflag:$0x3], $0x40, s2, s20, $0xb8;
	[tilespmem:$0x1E960] =	vst v63  }
0x33: {  	_ =	swait.ge [sflag:s13], $0x1F40  }
0x34: {  	[sflag:s13] =	ssyncset.done $0x0  }
0x35: {  	s31 =	simm.s32 $0x3F0;
	[sflag:s13] =	ssyncadd.s32 $0xFFFFE0C0  }
0x36: {  	[tilespmem:s17], [sflag:$0x1] =	stream.indirect.gather [hbm4b:s1+s16], $0x40, s31, s16, $0xb8;
	[tilespmem:$0x1E960] =	vst v63  }
0x37: {  	_ =	swait.ge [sflag:s24], $0x7D00  }
0x38: {  	[sflag:s24] =	ssyncset.done $0x0  }
0x39: {  	s2 =	simm.s32 $0x2960;
	[sflag:s24] =	ssyncadd.s32 $0xFFFF8300  }
0x3a: {  	[spmem:s3] =	stream.indirect.scatter.add.f32 [tilespmem:s19], [sflag:$0x3], $0x40, s2, s20, $0xb8;
	[tilespmem:$0x1E960] =	vst v63  }
0x3b: {  	_ =	swait.ge [sflag:s13], $0x1F40  }
0x3c: {  	[sflag:s13] =	ssyncset.done $0x0  }
0x3d: {  	s31 =	simm.s32 $0x29E0;
	[sflag:s13] =	ssyncadd.s32 $0xFFFFE0C0  }
0x3e: {  	[spmem:s3] =	stream.indirect.scatter.add.f32 [tilespmem:s25], [sflag:$0x3], $0x40, s31, s20, $0xb8;
	[tilespmem:$0x1E960] =	vst v63  }
0x3f: {  	_ =	swait.ge [sflag:s13], $0x1F40  }
0x40: {  	[sflag:s13] =	ssyncset.done $0x0  }
0x41: {  	s2 =	simm.s32 $0x2A60;
	[sflag:s13] =	ssyncadd.s32 $0xFFFFE0C0  }
0x42: {  	[spmem:s3] =	stream.indirect.scatter.add.f32 [tilespmem:s26], [sflag:$0x3], $0x40, s2, s20, $0xb8;
	[tilespmem:$0x1E960] =	vst v63  }
0x43: {  	_ =	swait.ge [sflag:s13], $0x1F40  }
0x44: {  	[sflag:s13] =	ssyncset.done $0x0  }
0x45: {  	s31 =	simm.s32 $0x2AE0;
	[sflag:s13] =	ssyncadd.s32 $0xFFFFE0C0  }
0x46: {  	[spmem:s3] =	stream.indirect.scatter.add.f32 [tilespmem:s28], [sflag:$0x3], $0x40, s31, s20, $0xb8;
	[tilespmem:$0x1E960] =	vst v63  }
0x47: {  	_ =	swait.ge [sflag:s13], $0x1F40  }
0x48: {  	s29 =	simm.s32 $0x1000;
	[sflag:s13] =	ssyncset.done $0x0  }
0x49: {  	s30 =	simm.s32 $0x9D8;
	s14 =	simm.s32 $0x5E8;
	[sflag:s13] =	ssyncadd.s32 $0xFFFFE0C0  }
.LBB2_2:
0x4a: {  	[tilespmem:s19], [sflag:$0x2] =	stream.indirect.gather [hbm4b:s1+s16], $0x40, s14, s16, $0xb8;
	[tilespmem:$0x1E960] =	vst v63  }
0x4b: {  	s31 =	smov.u32 s29;
	s14 =	smov.u32 s30  }
0x4c: {  	p0 =	sne.s32 s29, $0x8000;
	s29 =	sadd.s32 $0x1000, s29;
	_ =	swait.ge [sflag:s15], $0x7D00  }
0x4d: {  	s31 =	sshra.s32 s31, $0x2;
	[sflag:s15] =	ssyncset.done $0x0  }
0x4e: {  	s2 =	sadd.s32 $0x2760, s31;
	[sflag:s15] =	ssyncadd.s32 $0xFFFF8300  }
0x4f: {  	[spmem:s3] =	stream.indirect.scatter.add.f32 [tilespmem:s17], [sflag:$0x3], $0x40, s2, s20, $0xb8;
	[tilespmem:$0x1E960] =	vst v63  }
0x50: {  	_ =	swait.ge [sflag:s13], $0x1F40  }
0x51: {  	[sflag:s13] =	ssyncset.done $0x0  }
0x52: {  	s2 =	sadd.s32 $0x27E0, s31;
	[sflag:s13] =	ssyncadd.s32 $0xFFFFE0C0  }
0x53: {  	[spmem:s3] =	stream.indirect.scatter.add.f32 [tilespmem:s21], [sflag:$0x3], $0x40, s2, s20, $0xb8;
	[tilespmem:$0x1E960] =	vst v63  }
0x54: {  	_ =	swait.ge [sflag:s13], $0x1F40  }
0x55: {  	[sflag:s13] =	ssyncset.done $0x0  }
0x56: {  	s2 =	sadd.s32 $0x2860, s31;
	[sflag:s13] =	ssyncadd.s32 $0xFFFFE0C0  }
0x57: {  	[spmem:s3] =	stream.indirect.scatter.add.f32 [tilespmem:s22], [sflag:$0x3], $0x40, s2, s20, $0xb8;
	[tilespmem:$0x1E960] =	vst v63  }
0x58: {  	_ =	swait.ge [sflag:s13], $0x1F40  }
0x59: {  	[sflag:s13] =	ssyncset.done $0x0  }
0x5a: {  	s2 =	sadd.s32 $0x28E0, s31;
	[sflag:s13] =	ssyncadd.s32 $0xFFFFE0C0  }
0x5b: {  	[spmem:s3] =	stream.indirect.scatter.add.f32 [tilespmem:s23], [sflag:$0x3], $0x40, s2, s20, $0xb8;
	[tilespmem:$0x1E960] =	vst v63  }
0x5c: {  	_ =	swait.ge [sflag:s13], $0x1F40  }
0x5d: {  	[sflag:s13] =	ssyncset.done $0x0  }
0x5e: {  	s2 =	sadd.s32 $0xFFFFFE08, s30;
	[sflag:s13] =	ssyncadd.s32 $0xFFFFE0C0  }
0x5f: {  	[tilespmem:s17], [sflag:$0x1] =	stream.indirect.gather [hbm4b:s1+s16], $0x40, s2, s16, $0xb8;
	[tilespmem:$0x1E960] =	vst v63  }
0x60: {  	_ =	swait.ge [sflag:s24], $0x7D00  }
0x61: {  	[sflag:s24] =	ssyncset.done $0x0  }
0x62: {  	s2 =	sadd.s32 $0x2960, s31;
	[sflag:s24] =	ssyncadd.s32 $0xFFFF8300  }
0x63: {  	[spmem:s3] =	stream.indirect.scatter.add.f32 [tilespmem:s19], [sflag:$0x3], $0x40, s2, s20, $0xb8;
	[tilespmem:$0x1E960] =	vst v63  }
0x64: {  	_ =	swait.ge [sflag:s13], $0x1F40  }
0x65: {  	[sflag:s13] =	ssyncset.done $0x0  }
0x66: {  	s2 =	sadd.s32 $0x29E0, s31;
	[sflag:s13] =	ssyncadd.s32 $0xFFFFE0C0  }
0x67: {  	[spmem:s3] =	stream.indirect.scatter.add.f32 [tilespmem:s25], [sflag:$0x3], $0x40, s2, s20, $0xb8;
	[tilespmem:$0x1E960] =	vst v63  }
0x68: {  	_ =	swait.ge [sflag:s13], $0x1F40  }
0x69: {  	[sflag:s13] =	ssyncset.done $0x0  }
0x6a: {  	s2 =	sadd.s32 $0x2A60, s31;
	[sflag:s13] =	ssyncadd.s32 $0xFFFFE0C0  }
0x6b: {  	[spmem:s3] =	stream.indirect.scatter.add.f32 [tilespmem:s26], [sflag:$0x3], $0x40, s2, s20, $0xb8;
	[tilespmem:$0x1E960] =	vst v63  }
0x6c: {  	_ =	swait.ge [sflag:s13], $0x1F40  }
0x6d: {  	[sflag:s13] =	ssyncset.done $0x0  }
.Ltmp0:
0x6e: {  	s2 =	sadd.s32 $0x2AE0, s31;
	[sflag:s13] =	ssyncadd.s32 $0xFFFFE0C0;
	(pc) =	sbr.rel @p0 .LBB2_2-.Ltmp0, $4  }
0x6f: {  	[spmem:s3] =	stream.indirect.scatter.add.f32 [tilespmem:s28], [sflag:$0x3], $0x40, s2, s20, $0xb8;
	[tilespmem:$0x1E960] =	vst v63  }
0x70: {  	_ =	swait.ge [sflag:s13], $0x1F40  }
0x71: {  	[sflag:s13] =	ssyncset.done $0x0  }
0x72: {  	s30 =	sadd.s32 $0x3F0, s30;
	[sflag:s13] =	ssyncadd.s32 $0xFFFFE0C0  }
0x73: {  	[tilespmem:s19], [sflag:$0x2] =	stream.indirect.gather [hbm4b:s1+s16], $0x40, s14, s16, $0xb8;
	[tilespmem:$0x1E960] =	vst v63  }
0x74: {  	_ =	swait.ge [sflag:s15], $0x7D00  }
0x75: {  	[sflag:s15] =	ssyncset.done $0x0  }
0x76: {  	s2 =	simm.s32 $0x4B60;
	[sflag:s15] =	ssyncadd.s32 $0xFFFF8300  }
0x77: {  	[spmem:s3] =	stream.indirect.scatter.add.f32 [tilespmem:s17], [sflag:$0x3], $0x40, s2, s20, $0xb8;
	[tilespmem:$0x1E960] =	vst v63  }
0x78: {  	_ =	swait.ge [sflag:s13], $0x1F40  }
0x79: {  	[sflag:s13] =	ssyncset.done $0x0  }
0x7a: {  	s31 =	simm.s32 $0x4BE0;
	[sflag:s13] =	ssyncadd.s32 $0xFFFFE0C0  }
0x7b: {  	[spmem:s3] =	stream.indirect.scatter.add.f32 [tilespmem:s21], [sflag:$0x3], $0x40, s31, s20, $0xb8;
	[tilespmem:$0x1E960] =	vst v63  }
0x7c: {  	_ =	swait.ge [sflag:s13], $0x1F40  }
0x7d: {  	[sflag:s13] =	ssyncset.done $0x0  }
0x7e: {  	s14 =	simm.s32 $0x4C60;
	[sflag:s13] =	ssyncadd.s32 $0xFFFFE0C0  }
0x7f: {  	[spmem:s3] =	stream.indirect.scatter.add.f32 [tilespmem:s22], [sflag:$0x3], $0x40, s14, s20, $0xb8;
	[tilespmem:$0x1E960] =	vst v63  }
0x80: {  	_ =	swait.ge [sflag:s13], $0x1F40  }
0x81: {  	[sflag:s13] =	ssyncset.done $0x0  }
0x82: {  	s29 =	simm.s32 $0x4CE0;
	[sflag:s13] =	ssyncadd.s32 $0xFFFFE0C0  }
0x83: {  	[spmem:s3] =	stream.indirect.scatter.add.f32 [tilespmem:s23], [sflag:$0x3], $0x40, s29, s20, $0xb8;
	[tilespmem:$0x1E960] =	vst v63  }
0x84: {  	_ =	swait.ge [sflag:s13], $0x1F40  }
0x85: {  	[sflag:s13] =	ssyncset.done $0x0  }
0x86: {  	[sflag:s13] =	ssyncadd.s32 $0xFFFFE0C0  }
0x87: {  	[tilespmem:s17], [sflag:$0x1] =	stream.indirect.gather [hbm4b:s1+s16], $0x40, s4, s16, $0xb8;
	[tilespmem:$0x1E960] =	vst v63  }
0x88: {  	_ =	swait.ge [sflag:s24], $0x7D00  }
0x89: {  	[sflag:s24] =	ssyncset.done $0x0  }
0x8a: {  	s30 =	simm.s32 $0x4D60;
	[sflag:s24] =	ssyncadd.s32 $0xFFFF8300  }
0x8b: {  	[spmem:s3] =	stream.indirect.scatter.add.f32 [tilespmem:s19], [sflag:$0x3], $0x40, s30, s20, $0xb8;
	[tilespmem:$0x1E960] =	vst v63  }
0x8c: {  	_ =	swait.ge [sflag:s13], $0x1F40  }
0x8d: {  	[sflag:s13] =	ssyncset.done $0x0  }
0x8e: {  	s31 =	simm.s32 $0x4DE0;
	[sflag:s13] =	ssyncadd.s32 $0xFFFFE0C0  }
0x8f: {  	[spmem:s3] =	stream.indirect.scatter.add.f32 [tilespmem:s25], [sflag:$0x3], $0x40, s31, s20, $0xb8;
	[tilespmem:$0x1E960] =	vst v63  }
0x90: {  	_ =	swait.ge [sflag:s13], $0x1F40  }
0x91: {  	[sflag:s13] =	ssyncset.done $0x0  }
0x92: {  	s14 =	simm.s32 $0x4E60;
	[sflag:s13] =	ssyncadd.s32 $0xFFFFE0C0  }
0x93: {  	[spmem:s3] =	stream.indirect.scatter.add.f32 [tilespmem:s26], [sflag:$0x3], $0x40, s14, s20, $0xb8;
	[tilespmem:$0x1E960] =	vst v63  }
0x94: {  	_ =	swait.ge [sflag:s13], $0x1F40  }
0x95: {  	[sflag:s13] =	ssyncset.done $0x0  }
0x96: {  	s29 =	simm.s32 $0x4EE0;
	[sflag:s13] =	ssyncadd.s32 $0xFFFFE0C0  }
0x97: {  	[spmem:s3] =	stream.indirect.scatter.add.f32 [tilespmem:s28], [sflag:$0x3], $0x40, s29, s20, $0xb8;
	[tilespmem:$0x1E960] =	vst v63  }
0x98: {  	_ =	swait.ge [sflag:s13], $0x1F40  }
0x99: {  	[sflag:s13] =	ssyncset.done $0x0  }
0x9a: {  	[sflag:s13] =	ssyncadd.s32 $0xFFFFE0C0  }
0x9b: {  	[tilespmem:s19], [sflag:$0x2] =	stream.indirect.gather [hbm4b:s1+s16], $0x40, s18, s16, $0xb8;
	[tilespmem:$0x1E960] =	vst v63  }
0x9c: {  	_ =	swait.ge [sflag:s15], $0x7D00  }
0x9d: {  	[sflag:s15] =	ssyncset.done $0x0  }
0x9e: {  	[sflag:s15] =	ssyncadd.s32 $0xFFFF8300  }
0x9f: {  	s0 =	sadd.s32 $0x1, s0;
	_ =	swait.ge [sflag:s24], $0x7D00  }
0xa0: {  	p0 =	sne.s32 s0, s11;
	[sflag:s24] =	ssyncset.done $0x0  }
0xa1: {  	s30 =	sor.u32 $0x1C03, s5;
	s31 =	simm.s32 $0x10;
	[sflag:s24] =	ssyncadd.s32 $0xFFFF8300  }
.Ltmp1:
0xa2: {  	s29 =	simm.s32 $0x8;
	[bflag:$0x0] =	sbarrier.arrive $0xFFFF;
	(pc) =	sbr.rel @p0 .LBB2_1-.Ltmp1, $4  }
0xa3: {  	[hbm:s10@s31], [sflag:s30] =	dma.strided [spmem:s12@s29], $0x1400, s15, $0x8   }
0xa4: {  	_ =	swait.ge [sflag:s13], $0x1400  }
0xa5: {  	[sflag:s13] =	ssyncset.done $0x0  }
0xa6: {  	[sflag:s13] =	ssyncadd.s32 $0xFFFFEC00  }
0xa7: {  	_ =	sfence.sel $0x180000  }
0xa8: {  	[bflag:$0x0] =	sbarrier.arrive $0xFFFF  }
0xa9: {  	_ =	strace $0x9000004D  }
0xaa: {  	s0 =	stileid.u32;
	[bflag:$0x2] =	sbarrier.arrive $0xFFFF  }
0xab: {  	p0 =	sne.s32 s0, $0x0;
	s0 =	rddreg [dreg:$0x3]  }
0xac: {  	s0 =	sadd.s32 @!p0 $0x100000, s0  }
0xad: {  	[sflag:s0] =	ssyncadd.tile.s32 @!p0 $0x1;
	_ =	shalt  }
.Lfunc_end2:
_tile_overlayer_lowered:
.L_overlay_start_2:
0xae: {  	(tag) =	ssettag $0x2  }
0xaf: {  	s0 =	rddreg [dreg:$0x0];
	s2 =	stileid.u32  }
0xb0: {  	s1 =	rddreg [dreg:$0x1];
	p0 =	sne.s32 s2, $0x0  }
0xb1: {  	s3 =	rddreg [dreg:$0x2];
	[bflag:$0x3] =	sbarrier.arrive $0xFFFF;
	s2 =	simm.s32 @!p0 $0x1C03  }
0xb2: {  	[timem:s3], [sflag:s2] =	dma.local @!p0 [hbm:s0], s1  }
0xb3: {  	s0 =	simm.s32 @!p0 $0x3  }
0xb4: {  	_ =	swait.ge @!p0 [sflag:s0], s1  }
0xb5: {  	s1 =	ssub.s32 @!p0 $0x0, s1;
	[sflag:s0] =	ssyncset.done @!p0 $0x0  }
0xb6: {  	[sflag:s0] =	ssyncadd.s32 @!p0 s1  }
0xb7: {  	[bflag:$0x3] =	sbarrier.arrive $0xFFFF  }
0xb8: {  	_ =	shalt  }

// kernel: kernel.8.cloned.1.call-start
scs
__scs_entry_jumppad:
0x0: {  	(pc) =	sbr.rel $0x88, $3  }
0x1: {  	(tag) =	ssettag $0x0;
	lr =	simm.s32 $0x1  }
0x2: {  	[smem:$0x3F9B] =	sst lr;
	_ =	strace $0xD0000000  }
0x3: {  	_ = 	snop  }
0x4: {  	_ = 	snop  }
0x5: {  	_ = 	snop  }
0x6: {  	_ = 	snop  }
0x7: {  	_ = 	snop  }
__scs_overlays_trampoline_lowered:
0x8: {  	[smem:$0x3FAA] =	sst s0  }
0x9: {  	[smem:$0x3FAB] =	sst s1  }
0xa: {  	[smem:$0x3FAC] =	sst s2  }
0xb: {  	[smem:$0x3FAD] =	sst s3  }
0xc: {  	[smem:$0x3FAE] =	sst s4  }
0xd: {  	[smem:$0x3FAF] =	sst s5  }
0xe: {  	[smem:$0x3FB0] =	sst s6  }
0xf: {  	[smem:$0x3FB1] =	sst s7  }
0x10: {  	[smem:$0x3FB2] =	sst s8  }
0x11: {  	[smem:$0x3FB3] =	sst s9;
	s0 =	simm.s32 @!p0 $0x0  }
0x12: {  	s1 =	sld [smem:$0x3F99];
	s0 =	simm.s32 @p0 $0x1  }
0x13: {  	[smem:$0x3FB4] =	sst s0;
	s0 =	simm.s32 @!p1 $0x0  }
0x14: {  	s2 =	sld [smem:$0x3F98];
	s0 =	simm.s32 @p1 $0x1  }
0x15: {  	[smem:$0x3FB5] =	sst s0;
	s0 =	simm.s32 @!p2 $0x0  }
0x16: {  	s3 =	sld [smem:$0x3FDB];
	s0 =	simm.s32 @p2 $0x1  }
0x17: {  	s4 =	simm.s32 $0x1BF5;
	[smem:$0x3FB7] =	sst s0  }
0x18: {  	s0 =	sld [smem:$0x3F9A];
	_ =	swait.ge [sflag:s4], $0x0  }
0x19: {  	s7 =	sld [smem:$0x3F9B]  }
0x1a: {  	s8 =	sadd.s32 $0xFFFFE003, lr  }
0x1b: {  	s9 =	sadd.s32 $0xFFFFFEF7, lr;
	s5 =	simm.s32 $0xFFFFFFFF;
	p2 =	slt.u32 s8, $0xFFFFF086  }
0x1c: {  	p1 =	slt.u32 s9, $0xF7A;
	s5 =	simm.s32 @!p2 $0x0  }
0x1d: {  	s5 =	simm.s32 @p1 $0x1;
	p0 =	seq.s32 s7, s2  }
0x1e: {  	s7 =	smul.u32 @!p0 $0xF7A, s2;
	p2 =	seq.s32 @!p0 s5, $0x0  }
0x1f: {  	s9 =	smul.u32 $0xF7A, s1;
	s8 =	simm.s32 @!p0 $0x1BF5;
	p2 =	por !p2, p0  }
0x20: {  	[sflag:s8] =	ssyncset.s32 @!p0 $0xFFFFF086;
	s6 =	sadd.s32 @!p0 s3, s7;
	s7 =	simm.s32 @!p0 $0x108  }
0x21: {  	s3 =	sadd.s32 s3, s9;
	s6 =	sadd.s32 @!p0 $0x88, s6;
	s7 =	simm.s32 @p2 $0x1082  }
0x22: {  	[simem:s7], [sflag:s8] =	dma.local @!p0 [hbm:s6], $0xF7A  }
0x23: {  	s9 =	sor.u32 $0xD0000000, s2;
	s6 =	simm.s32 $0x108;
	_ =	swait.ge @!p0 [sflag:s8], $0x0  }
0x24: {  	s3 =	sadd.s32 $0x88, s3;
	s6 =	simm.s32 @!p1 $0x1082;
	[sflag:s4] =	ssyncset.s32 $0xFFFFF086  }
0x25: {  	[simem:s6], [sflag:s4] =	dma.local [hbm:s3], $0xF7A  }
0x26: {  	[smem:$0x3F9B] =	sst s1;
	(tag) =	ssettag s2;
	_ =	strace s9  }
0x27: {  	s1 =	sld [smem:$0x3FAB]  }
0x28: {  	s2 =	sld [smem:$0x3FAC]  }
0x29: {  	s4 =	sld [smem:$0x3FAE]  }
0x2a: {  	p0 =	seq.s32 s5, $0x0;
	s5 =	sld [smem:$0x3FAF]  }
0x2b: {  	s6 =	sld [smem:$0x3FB0]  }
0x2c: {  	s7 =	sld [smem:$0x3FB1]  }
0x2d: {  	s3 =	simm.s32 $0x108;
	s8 =	sld [smem:$0x3FB2]  }
0x2e: {  	s3 =	simm.s32 @!p0 $0x1082;
	s9 =	sld [smem:$0x3FB3]  }
0x2f: {  	lr =	sadd.s32 s0, s3;
	s0 =	sld [smem:$0x3FAA]  }
0x30: {  	s3 =	sld [smem:$0x3FAD]  }
0x31: {  	[smem:$0x3FB6] =	sst s10  }
0x32: {  	s10 =	sld [smem:$0x3FB4];
	_ =	sdelay $0x3  }
0x33: {  	p0 =	seq.s32 s10, $0x1;
	s10 =	sld [smem:$0x3FB6];
	_ =	sdelay $0x3  }
0x34: {  	[smem:$0x3FB6] =	sst s10  }
0x35: {  	s10 =	sld [smem:$0x3FB5];
	_ =	sdelay $0x3  }
0x36: {  	p1 =	seq.s32 s10, $0x1;
	s10 =	sld [smem:$0x3FB6];
	_ =	sdelay $0x3  }
0x37: {  	[smem:$0x3FB6] =	sst s10  }
0x38: {  	s10 =	sld [smem:$0x3FB7]  }
0x39: {  	_ = 	snop;
	(pc) =	sbr.ind lr, $3  }
0x3a: {  	_ = 	snop  }
0x3b: {  	_ = 	snop  }
0x3c: {  	p2 =	seq.s32 s10, $0x1;
	s10 =	sld [smem:$0x3FB6]  }
0x3d: {  	_ =	shalt  }
0x3e: {  	_ =	shalt  }
0x3f: {  	_ =	shalt  }
0x40: {  	_ =	shalt  }
0x41: {  	_ =	shalt  }
0x42: {  	_ =	shalt  }
0x43: {  	_ =	shalt  }
0x44: {  	_ =	shalt  }
0x45: {  	_ =	shalt  }
0x46: {  	_ =	shalt  }
0x47: {  	_ =	shalt  }
0x48: {  	_ =	shalt  }
0x49: {  	_ =	shalt  }
0x4a: {  	_ =	shalt  }
0x4b: {  	_ =	shalt  }
0x4c: {  	_ =	shalt  }
0x4d: {  	_ =	shalt  }
0x4e: {  	_ =	shalt  }
0x4f: {  	_ =	shalt  }
0x50: {  	_ =	shalt  }
0x51: {  	_ =	shalt  }
0x52: {  	_ =	shalt  }
0x53: {  	_ =	shalt  }
0x54: {  	_ =	shalt  }
0x55: {  	_ =	shalt  }
0x56: {  	_ =	shalt  }
0x57: {  	_ =	shalt  }
0x58: {  	_ =	shalt  }
0x59: {  	_ =	shalt  }
0x5a: {  	_ =	shalt  }
0x5b: {  	_ =	shalt  }
0x5c: {  	_ =	shalt  }
0x5d: {  	_ =	shalt  }
0x5e: {  	_ =	shalt  }
0x5f: {  	_ =	shalt  }
0x60: {  	_ =	shalt  }
0x61: {  	_ =	shalt  }
0x62: {  	_ =	shalt  }
0x63: {  	_ =	shalt  }
0x64: {  	_ =	shalt  }
0x65: {  	_ =	shalt  }
0x66: {  	_ =	shalt  }
0x67: {  	_ =	shalt  }
0x68: {  	_ =	shalt  }
0x69: {  	_ =	shalt  }
0x6a: {  	_ =	shalt  }
0x6b: {  	_ =	shalt  }
0x6c: {  	_ =	shalt  }
0x6d: {  	_ =	shalt  }
0x6e: {  	_ =	shalt  }
0x6f: {  	_ =	shalt  }
0x70: {  	_ =	shalt  }
0x71: {  	_ =	shalt  }
0x72: {  	_ =	shalt  }
0x73: {  	_ =	shalt  }
0x74: {  	_ =	shalt  }
0x75: {  	_ =	shalt  }
0x76: {  	_ =	shalt  }
0x77: {  	_ =	shalt  }
0x78: {  	_ =	shalt  }
0x79: {  	_ =	shalt  }
0x7a: {  	_ =	shalt  }
0x7b: {  	_ =	shalt  }
0x7c: {  	_ =	shalt  }
0x7d: {  	_ =	shalt  }
0x7e: {  	_ =	shalt  }
0x7f: {  	_ =	shalt  }
0x80: {  	_ =	shalt  }
0x81: {  	_ =	shalt  }
0x82: {  	_ =	shalt  }
0x83: {  	_ =	shalt  }
0x84: {  	_ =	shalt  }
0x85: {  	_ =	shalt  }
0x86: {  	_ =	shalt  }
0x87: {  	_ =	shalt  }
.Lfunc_end0:
.L_simem_size_0:
called_computation_lowered:
.L_overlay_start_0:
0x88: {  	s2 =	sld [smem:$0x3FD9]  }
0x89: {  	s3 =	sld [smem:$0x3FFE];
	_ =	sdelay $0x1  }
0x8a: {  	s1 =	srdreg.scid  }
0x8b: {  	s0 =	sand.u32 $0x1, s1  }
0x8c: {  	s17 =	sshll.u32 s0, $0xA;
	s2 =	sadd.s32 s3, s2  }
0x8d: {  	s2 =	sadd.s32 s2, s17  }
0x8e: {  	[smem:$0x3FC2] =	sst s2  }
0x8f: {  	_ = 	snop  }
0x90: {  	s2 =	sld [smem:$0x3FD0];
	(tm) =	ssettm $0x1  }
0x91: {  	s18 =	sld [smem:$0x3FFB];
	_ =	sdelay $0x3  }
0x92: {  	_ =	strace s18  }
0x93: {  	s3 =	sld [smem:$0x3FFC];
	_ =	sdelay $0x3  }
0x94: {  	_ =	strace s3  }
0x95: {  	s3 =	sld [smem:$0x3FFD];
	_ =	sdelay $0x3  }
0x96: {  	_ =	strace s3  }
0x97: {  	_ =	strace $0x8FFFFFFF  }
0x98: {  	s19 =	sld [smem:$0x3FDB];
	_ =	sdelay $0x1  }
0x99: {  	s4 =	simm.s32 $_scs_section_size  }
0x9a: {  	s5 =	simm.s32 $_size__tile_overlayer_lowered;
	s6 =	simm.s32 $_tile_overlayer_lowered  }
0x9b: {  	s22 =	simm.s32 $0x1BFF;
	s21 =	sshll.u32 s6, $0x1;
	s3 =	sadd.s32 s4, s19  }
0x9c: {  	s7 =	simm.s32 $0x0;
	s20 =	sshll.u32 s5, $0x1;
	s5 =	sadd.s32 s21, s3  }
0x9d: {  	[timem:s7], [sflag:s22] =	dma.local [hbm:s5], s20  }
0x9e: {  	_ =	swait.ge [sflag:s22], s20  }
0x9f: {  	s4 =	ssub.s32 $0x0, s20;
	[sflag:s22] =	ssyncset.done $0x0  }
0xa0: {  	[sflag:s22] =	ssyncadd.s32 s4;
	_ =	sdelay $0x1  }
0xa1: {  	s23 =	simm.s32 $0x1B8B  }
0xa2: {  	_ =	swait.ge [sflag:s23], $0x1  }
0xa3: {  	[sflag:s23] =	ssyncset.done $0x0  }
0xa4: {  	s25 =	simm.s32 $0x1B8E;
	s24 =	sld [smem:$0x3FFE];
	[sflag:s23] =	ssyncadd.s32 $0xFFFFFFFF  }
0xa5: {  	s26 =	simm.s32 $execute0_lowered;
	[smem:$0x3FD2] =	sst s25  }
0xa6: {  	s5 =	sshll.u32 s26, $0x1;
	_ =	strace $0x80000046;
	[dreg:$0x1] =	wrdreg $0xFFFFFFFF  }
0xa7: {  	s28 =	simm.s32 $_size_execute0_lowered;
	s3 =	sadd.s32 s3, s5;
	[dreg:$0x0] =	wrdreg $0x0  }
0xa8: {  	s5 =	sshll.u32 s28, $0x1;
	[dreg:$0x2] =	wrdreg s3  }
0xa9: {  	[dreg:$0x3] =	wrdreg s5  }
0xaa: {  	[dreg:$0x4] =	wrdreg $0xC0  }
0xab: {  	_ =	task [dreg:s7], $0x5FFFF  }
0xac: {  	[dreg:$0x1] =	wrdreg $0xFFFFFFFF  }
0xad: {  	[dreg:$0x0] =	wrdreg $0x60  }
0xae: {  	[dreg:$0x2] =	wrdreg s24  }
0xaf: {  	[dreg:$0x3] =	wrdreg s2  }
0xb0: {  	[dreg:$0x4] =	wrdreg $0x2FD00  }
0xb1: {  	[dreg:$0x5] =	wrdreg $0x9  }
0xb2: {  	_ =	task.clear_ibuf [dreg:s7], $0x6FFFF;
	_ =	strace $0x90000046  }
0xb3: {  	s29 =	simm.s32 $0x9;
	_ =	strace $0x80000048  }
0xb4: {  	_ =	swait.ge [sflag:s29], $0x1  }
0xb5: {  	[sflag:s29] =	ssyncadd.s32 $0xFFFFFFFF  }
0xb6: {  	_ =	strace $0x90000048  }
0xb7: {  	_ =	sfence  }
0xb8: {  	s30 =	sld [smem:$0x0];
	_ =	sdelay $0x2  }
0xb9: {  	s31 =	sshll.u32 s1, $0xD;
	s1 =	sshrl.u32 s1, $0x2  }
0xba: {  	s3 =	sand.u32 $0x4000, s31;
	s1 =	sadd.s32 s1, s30  }
0xbb: {  	s0 =	sor.u32 s3, s0;
	s1 =	sshll.u32 s1, $0x11  }
0xbc: {  	s0 =	sor.u32 s1, s0  }
0xbd: {  	s0 =	sadd.s32 $0x8F2B, s0  }
0xbe: {  	[sflag:s0] =	ssyncadd.remote.s32 $0x1  }
0xbf: {  	_ =	sfence.sel $0xFFFF  }
0xc0: {  	[dreg:$0x0] =	wrdreg $0xFFFFFFFF;
	(pc) =	sbr.abs _section_cstart, $3  }
0xc1: {  	[dreg:$0x1] =	wrdreg $0xFFFFFFFF  }
0xc2: {  	_ =	task.clear_ibuf [dreg:s7], $0x2FFFF;
	_ =	strace $0x9FFFFFFF  }
0xc3: {  	(tm) =	ssettm $0x7FFFFFFF  }
tec
execute0_lowered:
.L_overlay_start_1:
0x0: {  	(tag) =	ssettag $0x1  }
0x1: {  	s5 =	rddreg [dreg:$0x0]  }
0x2: {  	s6 =	rddreg [dreg:$0x1]  }
0x3: {  	s2 =	rddreg [dreg:$0x2]  }
0x4: {  	s0 =	srdreg.scid;
	s1 =	rddreg [dreg:$0x3];
	s3 =	simm.s32 $0x0  }
0x5: {  	s13 =	simm.s32 $0x1;
	s14 =	simm.s32 $0x7D;
	s16 =	simm.s32 $0x10  }
0x6: {  	s17 =	simm.s32 $0x0;
	s4 =	sand.u32 $0x1, s0;
	s0 =	stileid.u32  }
0x7: {  	[smem:$0x7FF] =	sst s3;
	s7 =	sshll.u32 s4, $0x4;
	s9 =	smul.u32 $0x14000, s0  }
0x8: {  	_ =	strace $0x80000047;
	s30 =	ssub.s32 $0x2, s4;
	s10 =	smul.u32 $0x2800, s0  }
0x9: {  	s4 =	sadd.s32 $0xC600, s5;
	s15 =	sshll.u32 s0, $0x6;
	s8 =	sor.u32 s0, s7  }
0xa: {  	s11 =	sshrl.u32 s30, $0x1;
	s8 =	smul.u32 $0x500, s8;
	s7 =	sor.u32 s7, s9  }
0xb: {  	s9 =	ssub.s32 s30, s11;
	s31 =	sshrl.u32 s10, $0x3;
	s10 =	sadd.s32 s10, s2  }
0xc: {  	s11 =	simm.s32 $0x2800;
	s7 =	sshrl.u32 s7, $0x3;
	s9 =	smax.u32 s9, $0x1  }
0xd: {  	s10 =	sshrl.u32 s10, $0x3;
	s8 =	sadd.s32 s8, s5;
	s12 =	sadd.s32 s7, s5  }
0xe: {  	s5 =	sadd.s32 s6, s31;
	s6 =	sor.u32 $0x1C01, s15;
	s15 =	sor.u32 $0x1C02, s15  }
0xf: {  	s7 =	sadd.s32 $0x2600, s8;
	s8 =	sadd.s32 $0xC800, s12;
	s12 =	simm.s32 $0x2  }
.LBB2_1:
0x10: {  	[spmem:s10], [sflag:s6] =	dma.local [hbm:s5], $0x500  }
0x11: {  	[tilespmem:s11], [sflag:$0x2] =	stream.linear.gather [hbm4b:s4+s3], $0x7D0, $0x38;
	[tilespmem:$0x57D0] =	vst v63  }
0x12: {  	_ =	swait.ge [sflag:s12], $0x7D0  }
0x13: {  	[sflag:s12] =	ssyncset.done $0x0  }
0x14: {  	[sflag:s12] =	ssyncadd.s32 $0xFFFFF830  }
0x15: {  	[tilespmem:s3], [sflag:$0x2] =	stream.linear.gather [hbm4b:s7+s3], $0x2800, $0x38;
	[tilespmem:$0x57D0] =	vst v63  }
0x16: {  	_ =	swait.ge [sflag:s12], $0x2800  }
0x17: {  	[sflag:s12] =	ssyncset.done $0x0  }
0x18: {  	[sflag:s12] =	ssyncadd.s32 $0xFFFFD800  }
0x19: {  	_ =	swait.ge [sflag:s13], $0x500  }
0x1a: {  	[sflag:s13] =	ssyncset.done $0x0  }
0x1b: {  	[sflag:s13] =	ssyncadd.s32 $0xFFFFFB00  }
0x1c: {  	s18 =	simm.s32 $0x0;
	[bflag:$0x0] =	sbarrier.arrive $0xFFFF  }
0x1d: {  	[spmem:s2] =	stream.indirect.scatter.add.f32 [tilespmem:s11], [sflag:$0x2], $0x10, s18, s14, $0xb8;
	[tilespmem:$0x57D0] =	vst v63  }
0x1e: {  	_ =	swait.ge [sflag:s12], $0x7D0  }
0x1f: {  	s18 =	simm.s32 $0x200;
	[sflag:s12] =	ssyncset.done $0x0  }
.LBB2_2:
0x20: {  	s19 =	sshra.s32 s18, $0x2;
	[sflag:s12] =	ssyncadd.s32 $0xFFFFF830;
	p0 =	sne.s32 s18, $0x9E00  }
0x21: {  	[spmem:s2] =	stream.indirect.scatter.add.f32 [tilespmem:s11], [sflag:$0x2], $0x10, s19, s14, $0xb8;
	[tilespmem:$0x57D0] =	vst v63  }
.Ltmp0:
0x22: {  	_ = 	snop;
	(pc) =	sbr.rel @p0 .LBB2_2-.Ltmp0, $4  }
0x23: {  	_ = 	snop  }
0x24: {  	s18 =	sadd.s32 $0x200, s18  }
0x25: {  	_ =	swait.ge [sflag:s12], $0x7D0  }
0x26: {  	[sflag:s12] =	ssyncset.done $0x0  }
0x27: {  	s17 =	sadd.s32 $0x1, s17  }
0x28: {  	[sflag:s12] =	ssyncadd.s32 $0xFFFFF830;
	p0 =	sne.s32 s17, s9  }
.Ltmp1:
0x29: {  	[bflag:$0x0] =	sbarrier.arrive $0xFFFF;
	(pc) =	sbr.rel @p0 .LBB2_1-.Ltmp1, $4  }
0x2a: {  	[hbm:s8@s16], [sflag:s15] =	dma.strided [spmem:s10@s12], $0x500, s13, $0x2   }
0x2b: {  	_ =	swait.ge [sflag:s12], $0x500  }
0x2c: {  	[sflag:s12] =	ssyncset.done $0x0  }
0x2d: {  	[sflag:s12] =	ssyncadd.s32 $0xFFFFFB00  }
0x2e: {  	_ =	sfence.sel $0x180000  }
0x2f: {  	[bflag:$0x0] =	sbarrier.arrive $0xFFFF  }
0x30: {  	p0 =	sne.s32 s0, $0x0;
	_ =	strace $0x90000047  }
0x31: {  	s0 =	sadd.s32 @!p0 $0x100000, s1;
	[bflag:$0x2] =	sbarrier.arrive $0xFFFF  }
0x32: {  	[sflag:s0] =	ssyncadd.tile.s32 @!p0 $0x1;
	_ =	shalt  }
.Lfunc_end2:
_tile_overlayer_lowered:
.L_overlay_start_2:
0x33: {  	(tag) =	ssettag $0x2  }
0x34: {  	s0 =	rddreg [dreg:$0x0];
	s2 =	stileid.u32  }
0x35: {  	s1 =	rddreg [dreg:$0x1];
	p0 =	sne.s32 s2, $0x0  }
0x36: {  	s3 =	rddreg [dreg:$0x2];
	[bflag:$0x3] =	sbarrier.arrive $0xFFFF;
	s2 =	simm.s32 @!p0 $0x1C02  }
0x37: {  	[timem:s3], [sflag:s2] =	dma.local @!p0 [hbm:s0], s1  }
0x38: {  	s0 =	simm.s32 @!p0 $0x2  }
0x39: {  	_ =	swait.ge @!p0 [sflag:s0], s1  }
0x3a: {  	s1 =	ssub.s32 @!p0 $0x0, s1;
	[sflag:s0] =	ssyncset.done @!p0 $0x0  }
0x3b: {  	[sflag:s0] =	ssyncadd.s32 @!p0 s1  }
0x3c: {  	[bflag:$0x3] =	sbarrier.arrive $0xFFFF  }
0x3d: {  	_ =	shalt  }

</sc_bundles>
